<compile_context>
chip_gen: v7x
topology: tpu7x:2x2x1
jax: 0.10.2.dev20260603
libtpu: 0.0.44.dev20260713+nightly
codegen_flags: <defaults>
</compile_context>

<pallas_src>
import functools

import jax
import jax.numpy as jnp
from jax import lax
from jax.experimental import pallas as pl
from jax.experimental.pallas import tpu as pltpu
from jax.experimental.pallas import tpu_sc as plsc

N_NODES_K = 10000
N_EDGES_K = 160000
D_FEAT_K = 256
HALF_D = 128

CHUNK = 128
ROWS2D = 1280
PAD_E = ROWS2D * CHUNK - N_EDGES_K
NKS = ROWS2D // 16
NKD = ROWS2D // 32
NB = 2
ZROWS = 10112
ZTRASH = N_NODES_K
BLK = 400
DEGW = 64

_MESH = plsc.VectorSubcoreMesh(core_axis_name="c", subcore_axis_name="s")


@functools.partial(
    pl.kernel,
    out_type=jax.ShapeDtypeStruct((2, ZROWS, DEGW), jnp.float32),
    mesh=_MESH,
    scratch_types=[
        pltpu.VMEM_SHARED((ZROWS, DEGW), jnp.float32),
        pltpu.VMEM((NKD, CHUNK), jnp.int32),
        pltpu.VMEM((NKD, CHUNK), jnp.int32),
        pltpu.VMEM((CHUNK,), jnp.int32),
        pltpu.VMEM((CHUNK,), jnp.int32),
        pltpu.VMEM((CHUNK, DEGW), jnp.float32),
        pltpu.VMEM((CHUNK, DEGW), jnp.float32),
        pltpu.SemaphoreType.DMA,
        pltpu.SemaphoreType.DMA,
    ],
)
def _sc_degree(row_hbm, col_hbm, out_hbm, deg_sh, rbuf, cbuf, cs0, cs1, ones,
               zbuf, sem0, sem1):
    cid = lax.axis_index("c")
    sid = lax.axis_index("s")

    @pl.loop(0, CHUNK)
    def _(i):
        @pl.loop(0, DEGW, step=16)
        def _(j):
            ones[i, pl.ds(j, 16)] = jnp.full((16,), 1.0, jnp.float32)
            zbuf[i, pl.ds(j, 16)] = jnp.zeros((16,), jnp.float32)

    base = sid * 632
    for part in range(4):
        pltpu.sync_copy(
            zbuf, deg_sh.at[pl.ds(base + part * CHUNK, CHUNK)])
    pltpu.sync_copy(
        zbuf.at[pl.ds(0, 120)], deg_sh.at[pl.ds(base + 512, 120)])
    plsc.subcore_barrier()

    base_r = cid * (16 * NKD) + sid * NKD
    pltpu.sync_copy(row_hbm.at[pl.ds(base_r, NKD)], rbuf)
    pltpu.sync_copy(col_hbm.at[pl.ds(base_r, NKD)], cbuf)

    trash16 = ZTRASH + lax.iota(jnp.int32, 16)
    slots = [(cs0, sem0), (cs1, sem1)]

    def _scat(b):
        cs, sem = slots[b]
        return pltpu.make_async_copy(ones, deg_sh.at[cs], sem)

    @pl.loop(0, NKD, step=NB)
    def _(k2):
        for b in range(NB):
            k = k2 + b
            cs, _sem = slots[b]

            @pl.when(k2 > 0)
            def _():
                _scat(b).wait()

            @pl.loop(0, CHUNK, step=16)
            def _(j):
                c16 = cbuf[k, pl.ds(j, 16)]
                r16 = rbuf[k, pl.ds(j, 16)]
                cs[pl.ds(j, 16)] = jnp.where(c16 == r16, trash16, c16)

            _scat(b).start(add=True)

    for b in range(NB):
        _scat(b).wait()

    plsc.subcore_barrier()
    pltpu.sync_copy(
        deg_sh.at[pl.ds(base, 632)],
        out_hbm.at[cid, pl.ds(base, 632)],
    )


@functools.partial(
    pl.kernel,
    out_type=jax.ShapeDtypeStruct((2, ZROWS, HALF_D), jnp.float32),
    mesh=_MESH,
    scratch_types=[
        pltpu.VMEM_SHARED((ZROWS, HALF_D), jnp.float32),
        pltpu.VMEM((2, CHUNK), jnp.int32),
        pltpu.VMEM((2, CHUNK), jnp.int32),
        pltpu.VMEM((CHUNK,), jnp.int32),
        pltpu.VMEM((CHUNK,), jnp.int32),
        pltpu.VMEM((CHUNK,), jnp.int32),
        pltpu.VMEM((CHUNK,), jnp.int32),
        pltpu.VMEM((CHUNK, HALF_D), jnp.float32),
        pltpu.VMEM((CHUNK, HALF_D), jnp.float32),
    ]
    + [pltpu.SemaphoreType.DMA] * 6,
)
def _sc_scatter(e3_hbm, y_hbm, out_hbm, z_sh, i0, i1, r0, r1, c0, c1, g0, g1,
                is0, is1, gs0, gs1, ss0, ss1):
    cid = lax.axis_index("c")
    sid = lax.axis_index("s")
    ybase = cid * N_NODES_K
    trash16 = ZTRASH + lax.iota(jnp.int32, 16)
    slots = [(i0, r0, c0, g0, is0, gs0, ss0), (i1, r1, c1, g1, is1, gs1, ss1)]

    def _fix(b):
        islot, rslot, cslot = slots[b][0], slots[b][1], slots[b][2]

        @pl.loop(0, CHUNK, step=16)
        def _(j):
            c16 = islot[1, pl.ds(j, 16)]
            r16 = islot[0, pl.ds(j, 16)]
            rslot[pl.ds(j, 16)] = r16 + ybase
            bad = (c16 >= N_NODES_K) | (c16 == r16)
            cslot[pl.ds(j, 16)] = jnp.where(bad, trash16, c16)

    def _idx(k, b):
        return pltpu.make_async_copy(
            e3_hbm.at[sid * NKS + k], slots[b][0], slots[b][4])

    def _gat(b):
        return pltpu.make_async_copy(
            y_hbm.at[slots[b][1]], slots[b][3], slots[b][5])

    def _scat(b):
        return pltpu.make_async_copy(
            slots[b][3], z_sh.at[slots[b][2]], slots[b][6])

    @pl.loop(0, CHUNK)
    def _(i):
        @pl.loop(0, HALF_D, step=16)
        def _(j):
            g0[i, pl.ds(j, 16)] = jnp.zeros((16,), jnp.float32)

    zb = sid * 632
    for part in range(4):
        pltpu.sync_copy(g0, z_sh.at[pl.ds(zb + part * CHUNK, CHUNK)])
    pltpu.sync_copy(
        g0.at[pl.ds(0, 120)], z_sh.at[pl.ds(zb + 512, 120)])
    plsc.subcore_barrier()

    for b in range(NB):
        _idx(b, b).start()

    @pl.loop(0, NKS, step=NB)
    def _(k2):
        for b in range(NB):
            k = k2 + b

            @pl.when(k2 > 0)
            def _():
                _scat(b).wait()

            _idx(k, b).wait()
            _fix(b)

            @pl.when(k + NB < NKS)
            def _():
                _idx(k + NB, b).start()

            _gat(b).start()

            if b > 0:
                _gat(b - 1).wait()
                _scat(b - 1).start(add=True)
            else:
                @pl.when(k2 > 0)
                def _():
                    _gat(NB - 1).wait()
                    _scat(NB - 1).start(add=True)

    _gat(NB - 1).wait()
    _scat(NB - 1).start(add=True)
    for b in range(NB):
        _scat(b).wait()

    plsc.subcore_barrier()
    pltpu.sync_copy(
        z_sh.at[pl.ds(zb, 632)], out_hbm.at[cid, pl.ds(zb, 632)]
    )


def _t1_body(d0, d1, x, y3, dv):
    deg = d0[...][0][:, 0:1] + d1[...][0][:, 0:1] + 1.0
    dinv = lax.rsqrt(deg) * jnp.ones((1, HALF_D), jnp.float32)
    y3[0] = dinv * x[...][:, :HALF_D]
    y3[1] = dinv * x[...][:, HALF_D:]
    dv[...] = dinv


def _t2_write(dv, z, y, o):
    dinv = dv[...]
    lo = dinv * (z[...][0] + y[...][0])
    hi = dinv * (z[...][1] + y[...][1])
    o[...] = jnp.concatenate([lo, hi], axis=1)


def kernel(edge_index, input_feature):
    ei = edge_index.astype(jnp.int32)
    row, col = ei[0], ei[1]
    rowp = jnp.concatenate(
        [row, jnp.zeros((PAD_E,), jnp.int32)]).reshape(ROWS2D, CHUNK)
    colp = jnp.concatenate(
        [col, jnp.full((PAD_E,), N_NODES_K, jnp.int32)]).reshape(ROWS2D, CHUNK)
    e3 = jnp.stack([rowp, colp], axis=1)

    degp = _sc_degree(rowp, colp)

    nblk = N_NODES_K // BLK
    y3, dinvb = pl.pallas_call(
        _t1_body,
        out_shape=[
            jax.ShapeDtypeStruct((2, N_NODES_K, HALF_D), jnp.float32),
            jax.ShapeDtypeStruct((N_NODES_K, HALF_D), jnp.float32),
        ],
        grid=(nblk,),
        in_specs=[
            pl.BlockSpec((1, BLK, DEGW), lambda i: (0, i, 0)),
            pl.BlockSpec((1, BLK, DEGW), lambda i: (1, i, 0)),
            pl.BlockSpec((BLK, D_FEAT_K), lambda i: (i, 0)),
        ],
        out_specs=[
            pl.BlockSpec((2, BLK, HALF_D), lambda i: (0, i, 0)),
            pl.BlockSpec((BLK, HALF_D), lambda i: (i, 0)),
        ],
    )(degp, degp, input_feature)

    zz = _sc_scatter(e3, y3.reshape(2 * N_NODES_K, HALF_D))

    out = pl.pallas_call(
        _t2_write,
        out_shape=jax.ShapeDtypeStruct((N_NODES_K, D_FEAT_K), jnp.float32),
        grid=(nblk,),
        in_specs=[
            pl.BlockSpec((BLK, HALF_D), lambda i: (i, 0)),
            pl.BlockSpec((2, BLK, HALF_D), lambda i: (0, i, 0)),
            pl.BlockSpec((2, BLK, HALF_D), lambda i: (0, i, 0)),
        ],
        out_specs=pl.BlockSpec((BLK, D_FEAT_K), lambda i: (i, 0)),
    )(dinvb, zz, y3)
    return out

# --- scband reference (transcript-rebuilt; emitter-appended) ---
"""Pipeline reference for scband-graph-convolution-78374563217587 (READ-ONLY COPY).

The authoritative reference and input builder live on the scoring server;
editing this copy changes nothing except your own understanding.
"""

import jax, jax.numpy as jnp
import numpy as np

N_NODES = 10000
N_EDGES = 160000
D_FEAT = 256

def setup_inputs(seed: int = 0) -> dict:
    key = jax.random.key(seed)
    k1, k2 = jax.random.split(key)
    edge_index = jax.random.randint(k1, (2, N_EDGES), 0, N_NODES, dtype=jnp.int64)
    input_feature = jax.random.normal(k2, (N_NODES, D_FEAT), dtype=jnp.float32)
    return {"edge_index": edge_index, "input_feature": input_feature}

def reference(edge_index, input_feature):
    N = input_feature.shape[0]
    dtype = input_feature.dtype
    row = edge_index[0]
    col = edge_index[1]
    E = row.shape[0]
    edge_weight = jnp.ones((E,), dtype=dtype)
    # add_remaining_self_loops with fill_value=1.0: zero out existing self-loops,
    # append a self-loop of weight 1 for every node (equivalent since all weights are 1).
    loop_mask = row == col
    edge_weight = jnp.where(loop_mask, jnp.zeros((), dtype=dtype), edge_weight)
    loop_idx = jnp.arange(N, dtype=row.dtype)
    row2 = jnp.concatenate([row, loop_idx])
    col2 = jnp.concatenate([col, loop_idx])
    ew2 = jnp.concatenate([edge_weight, jnp.ones((N,), dtype=dtype)])
    # gcn_norm, flow='source_to_target' -> degree computed over col
    deg = jnp.zeros((N,), dtype=dtype).at[col2].add(ew2)
    deg_inv_sqrt = deg ** (-0.5)
    deg_inv_sqrt = jnp.where(jnp.isinf(deg_inv_sqrt), jnp.zeros((), dtype=dtype), deg_inv_sqrt)
    w = deg_inv_sqrt[row2] * ew2 * deg_inv_sqrt[col2]
    # torch code swaps rows/cols: adj_t[col, row] = w; out = adj_t @ X -> out[col] += w * X[row]
    out = jnp.zeros((N, input_feature.shape[1]), dtype=dtype).at[col2].add(w[:, None] * input_feature[row2])
    return out

if __name__ == "__main__":
    import jax
    _d = setup_inputs()
    print(jax.jit(kernel)(*tuple(_d.values())))

</pallas_src>

<mosaic_0001>
#map = affine_map<(d0, d1) -> (0, 0, 0)>
#map1 = affine_map<(d0, d1) -> (0, 0)>
module attributes {stable_mosaic.version = 14 : i64} {
  func.func @_sc_scatter(%arg0: i32, %arg1: i32, %arg2: memref<1280x2x128xi32, #tpu.memory_space<hbm>>, %arg3: memref<20000x128xf32, #tpu.memory_space<hbm>>, %arg4: memref<2x10112x128xf32, #tpu.memory_space<hbm>>, %arg5: memref<10112x128xf32, #tpu.memory_space<vmem_shared>>, %arg6: memref<2x128xi32, #tpu.memory_space<vmem>>, %arg7: memref<2x128xi32, #tpu.memory_space<vmem>>, %arg8: memref<128xi32, #tpu.memory_space<vmem>>, %arg9: memref<128xi32, #tpu.memory_space<vmem>>, %arg10: memref<128xi32, #tpu.memory_space<vmem>>, %arg11: memref<128xi32, #tpu.memory_space<vmem>>, %arg12: memref<128x128xf32, #tpu.memory_space<vmem>>, %arg13: memref<128x128xf32, #tpu.memory_space<vmem>>, %arg14: memref<!tpu.dma_semaphore, #tpu.memory_space<semaphore_mem>>, %arg15: memref<!tpu.dma_semaphore, #tpu.memory_space<semaphore_mem>>, %arg16: memref<!tpu.dma_semaphore, #tpu.memory_space<semaphore_mem>>, %arg17: memref<!tpu.dma_semaphore, #tpu.memory_space<semaphore_mem>>, %arg18: memref<!tpu.dma_semaphore, #tpu.memory_space<semaphore_mem>>, %arg19: memref<!tpu.dma_semaphore, #tpu.memory_space<semaphore_mem>>) attributes {dimension_semantics = [#tpu.dimension_semantics<core_parallel>, #tpu.dimension_semantics<subcore_parallel>], iteration_bounds = array<i64: 2, 16>, scalar_prefetch = 0 : i64, scratch_operands = 15 : i64, tpu.core_type = #tpu.core_type<sc_vector_subcore>, window_params = [{transform_indices = #map}, {transform_indices = #map1}, {transform_indices = #map}]} {
    %mul3A = arith.constant 10000 : i32
    %mul3A_0 = arith.muli %arg0, %mul3A : i32
    %iota3A = tpu.iota {dimensions = array<i32: 0>} : vector<16xi32>
    %add3A = arith.constant 10000 : i32
    %add3A_1 = vector.broadcast %add3A : i32 to vector<16xi32>
    %add3A_2 = arith.addi %add3A_1, %iota3A : vector<16xi32>
    %scan3A = arith.constant 0 : i32
    %scan3A_3 = arith.constant 128 : i32
    %scan3A_4 = arith.addi %scan3A, %scan3A_3 : i32
    %scan3A_5 = arith.constant 1 : i32
    scf.for %scan3A_59 = %scan3A to %scan3A_4 step %scan3A_5  : i32 {
      %mul3A_60 = arith.constant 1 : i32
      %mul3A_61 = arith.muli %scan3A_59, %mul3A_60 : i32
      %add3A_62 = arith.constant 0 : i32
      %add3A_63 = arith.addi %add3A_62, %mul3A_61 : i32
      %scan3A_64 = arith.constant 0 : i32
      %scan3A_65 = arith.constant 8 : i32
      %scan3A_66 = arith.addi %scan3A_64, %scan3A_65 : i32
      %scan3A_67 = arith.constant 1 : i32
      scf.for %scan3A_69 = %scan3A_64 to %scan3A_66 step %scan3A_67  : i32 {
        %mul3A_70 = arith.constant 16 : i32
        %mul3A_71 = arith.muli %scan3A_69, %mul3A_70 : i32
        %add3A_72 = arith.constant 0 : i32
        %add3A_73 = arith.addi %add3A_72, %mul3A_71 : i32
        %broadcast_in_dim3A = arith.constant 0.000000e+00 : f32
        %broadcast_in_dim3A_74 = vector.broadcast %broadcast_in_dim3A : f32 to vector<16xf32>
        %swap3A = arith.index_cast %add3A_63 : i32 to index
        %swap3A_75 = arith.index_cast %add3A_73 : i32 to index
        %swap3A_76 = tpu.vector_load %arg12[%swap3A, %swap3A_75] {strides = array<i32>} : memref<128x128xf32, #tpu.memory_space<vmem>>, vector<1x16xf32>,
        %swap3A_77 = vector.shape_cast %swap3A_76 : vector<1x16xf32> to vector<16xf32>
        %swap3A_78 = vector.shape_cast %broadcast_in_dim3A_74 : vector<16xf32> to vector<1x16xf32>
        tpu.vector_store %arg12[%swap3A, %swap3A_75], %swap3A_78 {strides = array<i32>} : memref<128x128xf32, #tpu.memory_space<vmem>>, vector<1x16xf32>,
      }
      %scan3A_68 = arith.constant 8 : i32
    }
    %scan3A_6 = arith.constant 128 : i32
    %mul3A_7 = arith.constant 632 : i32
    %mul3A_8 = arith.muli %arg1, %mul3A_7 : i32
    %add3A_9 = arith.constant 0 : i32
    %add3A_10 = arith.addi %mul3A_8, %add3A_9 : i32
    "tpu.region"() ({
      %run_scoped3A = tpu.sem_alloc : memref<!tpu.dma_semaphore, #tpu.memory_space<semaphore_mem>>
      %dma_start3A_59 = arith.constant 0 : i32
      %dma_start3A_60 = tpu.memref_slice %arg5[%add3A_10, %dma_start3A_59] : memref<10112x128xf32, #tpu.memory_space<vmem_shared>> -> memref<128x128xf32, #tpu.memory_space<vmem_shared>>
      %dma_start3A_61 = arith.constant 0 : i32
      %dma_start3A_62 = tpu.memref_slice %arg5[%add3A_10, %dma_start3A_61] : memref<10112x128xf32, #tpu.memory_space<vmem_shared>> -> memref<128x128xf32, #tpu.memory_space<vmem_shared>>
      tpu.enqueue_dma source(%arg12 : memref<128x128xf32, #tpu.memory_space<vmem>>) target(%dma_start3A_62 : memref<128x128xf32, #tpu.memory_space<vmem_shared>>) target_semaphore(%run_scoped3A : memref<!tpu.dma_semaphore, #tpu.memory_space<semaphore_mem>>)
      %dma_wait3A_63 = arith.constant 0 : i32
      %dma_wait3A_64 = tpu.memref_slice %arg5[%add3A_10, %dma_wait3A_63] : memref<10112x128xf32, #tpu.memory_space<vmem_shared>> -> memref<128x128xf32, #tpu.memory_space<vmem_shared>>
      %dma_wait3A_65 = arith.constant 0 : i32
      %dma_wait3A_66 = tpu.memref_slice %arg5[%add3A_10, %dma_wait3A_65] : memref<10112x128xf32, #tpu.memory_space<vmem_shared>> -> memref<128x128xf32, #tpu.memory_space<vmem_shared>>
      tpu.wait_dma2 semaphore(%run_scoped3A : memref<!tpu.dma_semaphore, #tpu.memory_space<semaphore_mem>>) src(%arg12 : memref<128x128xf32, #tpu.memory_space<vmem>>) dst(%dma_wait3A_66 : memref<128x128xf32, #tpu.memory_space<vmem_shared>>)
      tpu.yield
    }) : () -> ()
    %add3A_11 = arith.constant 128 : i32
    %add3A_12 = arith.addi %mul3A_8, %add3A_11 : i32
    "tpu.region"() ({
      %run_scoped3A = tpu.sem_alloc : memref<!tpu.dma_semaphore, #tpu.memory_space<semaphore_mem>>
      %dma_start3A_59 = arith.constant 0 : i32
      %dma_start3A_60 = tpu.memref_slice %arg5[%add3A_12, %dma_start3A_59] : memref<10112x128xf32, #tpu.memory_space<vmem_shared>> -> memref<128x128xf32, #tpu.memory_space<vmem_shared>>
      %dma_start3A_61 = arith.constant 0 : i32
      %dma_start3A_62 = tpu.memref_slice %arg5[%add3A_12, %dma_start3A_61] : memref<10112x128xf32, #tpu.memory_space<vmem_shared>> -> memref<128x128xf32, #tpu.memory_space<vmem_shared>>
      tpu.enqueue_dma source(%arg12 : memref<128x128xf32, #tpu.memory_space<vmem>>) target(%dma_start3A_62 : memref<128x128xf32, #tpu.memory_space<vmem_shared>>) target_semaphore(%run_scoped3A : memref<!tpu.dma_semaphore, #tpu.memory_space<semaphore_mem>>)
      %dma_wait3A_63 = arith.constant 0 : i32
      %dma_wait3A_64 = tpu.memref_slice %arg5[%add3A_12, %dma_wait3A_63] : memref<10112x128xf32, #tpu.memory_space<vmem_shared>> -> memref<128x128xf32, #tpu.memory_space<vmem_shared>>
      %dma_wait3A_65 = arith.constant 0 : i32
      %dma_wait3A_66 = tpu.memref_slice %arg5[%add3A_12, %dma_wait3A_65] : memref<10112x128xf32, #tpu.memory_space<vmem_shared>> -> memref<128x128xf32, #tpu.memory_space<vmem_shared>>
      tpu.wait_dma2 semaphore(%run_scoped3A : memref<!tpu.dma_semaphore, #tpu.memory_space<semaphore_mem>>) src(%arg12 : memref<128x128xf32, #tpu.memory_space<vmem>>) dst(%dma_wait3A_66 : memref<128x128xf32, #tpu.memory_space<vmem_shared>>)
      tpu.yield
    }) : () -> ()
    %add3A_13 = arith.constant 256 : i32
    %add3A_14 = arith.addi %mul3A_8, %add3A_13 : i32
    "tpu.region"() ({
      %run_scoped3A = tpu.sem_alloc : memref<!tpu.dma_semaphore, #tpu.memory_space<semaphore_mem>>
      %dma_start3A_59 = arith.constant 0 : i32
      %dma_start3A_60 = tpu.memref_slice %arg5[%add3A_14, %dma_start3A_59] : memref<10112x128xf32, #tpu.memory_space<vmem_shared>> -> memref<128x128xf32, #tpu.memory_space<vmem_shared>>
      %dma_start3A_61 = arith.constant 0 : i32
      %dma_start3A_62 = tpu.memref_slice %arg5[%add3A_14, %dma_start3A_61] : memref<10112x128xf32, #tpu.memory_space<vmem_shared>> -> memref<128x128xf32, #tpu.memory_space<vmem_shared>>
      tpu.enqueue_dma source(%arg12 : memref<128x128xf32, #tpu.memory_space<vmem>>) target(%dma_start3A_62 : memref<128x128xf32, #tpu.memory_space<vmem_shared>>) target_semaphore(%run_scoped3A : memref<!tpu.dma_semaphore, #tpu.memory_space<semaphore_mem>>)
      %dma_wait3A_63 = arith.constant 0 : i32
      %dma_wait3A_64 = tpu.memref_slice %arg5[%add3A_14, %dma_wait3A_63] : memref<10112x128xf32, #tpu.memory_space<vmem_shared>> -> memref<128x128xf32, #tpu.memory_space<vmem_shared>>
      %dma_wait3A_65 = arith.constant 0 : i32
      %dma_wait3A_66 = tpu.memref_slice %arg5[%add3A_14, %dma_wait3A_65] : memref<10112x128xf32, #tpu.memory_space<vmem_shared>> -> memref<128x128xf32, #tpu.memory_space<vmem_shared>>
      tpu.wait_dma2 semaphore(%run_scoped3A : memref<!tpu.dma_semaphore, #tpu.memory_space<semaphore_mem>>) src(%arg12 : memref<128x128xf32, #tpu.memory_space<vmem>>) dst(%dma_wait3A_66 : memref<128x128xf32, #tpu.memory_space<vmem_shared>>)
      tpu.yield
    }) : () -> ()
    %add3A_15 = arith.constant 384 : i32
    %add3A_16 = arith.addi %mul3A_8, %add3A_15 : i32
    "tpu.region"() ({
      %run_scoped3A = tpu.sem_alloc : memref<!tpu.dma_semaphore, #tpu.memory_space<semaphore_mem>>
      %dma_start3A_59 = arith.constant 0 : i32
      %dma_start3A_60 = tpu.memref_slice %arg5[%add3A_16, %dma_start3A_59] : memref<10112x128xf32, #tpu.memory_space<vmem_shared>> -> memref<128x128xf32, #tpu.memory_space<vmem_shared>>
      %dma_start3A_61 = arith.constant 0 : i32
      %dma_start3A_62 = tpu.memref_slice %arg5[%add3A_16, %dma_start3A_61] : memref<10112x128xf32, #tpu.memory_space<vmem_shared>> -> memref<128x128xf32, #tpu.memory_space<vmem_shared>>
      tpu.enqueue_dma source(%arg12 : memref<128x128xf32, #tpu.memory_space<vmem>>) target(%dma_start3A_62 : memref<128x128xf32, #tpu.memory_space<vmem_shared>>) target_semaphore(%run_scoped3A : memref<!tpu.dma_semaphore, #tpu.memory_space<semaphore_mem>>)
      %dma_wait3A_63 = arith.constant 0 : i32
      %dma_wait3A_64 = tpu.memref_slice %arg5[%add3A_16, %dma_wait3A_63] : memref<10112x128xf32, #tpu.memory_space<vmem_shared>> -> memref<128x128xf32, #tpu.memory_space<vmem_shared>>
      %dma_wait3A_65 = arith.constant 0 : i32
      %dma_wait3A_66 = tpu.memref_slice %arg5[%add3A_16, %dma_wait3A_65] : memref<10112x128xf32, #tpu.memory_space<vmem_shared>> -> memref<128x128xf32, #tpu.memory_space<vmem_shared>>
      tpu.wait_dma2 semaphore(%run_scoped3A : memref<!tpu.dma_semaphore, #tpu.memory_space<semaphore_mem>>) src(%arg12 : memref<128x128xf32, #tpu.memory_space<vmem>>) dst(%dma_wait3A_66 : memref<128x128xf32, #tpu.memory_space<vmem_shared>>)
      tpu.yield
    }) : () -> ()
    %add3A_17 = arith.constant 512 : i32
    %add3A_18 = arith.addi %mul3A_8, %add3A_17 : i32
    "tpu.region"() ({
      %run_scoped3A = tpu.sem_alloc : memref<!tpu.dma_semaphore, #tpu.memory_space<semaphore_mem>>
      %dma_start3A_59 = arith.constant 0 : i32
      %dma_start3A_60 = arith.constant 0 : i32
      %dma_start3A_61 = tpu.memref_slice %arg12[%dma_start3A_59, %dma_start3A_60] : memref<128x128xf32, #tpu.memory_space<vmem>> -> memref<120x128xf32, #tpu.memory_space<vmem>>
      %dma_start3A_62 = arith.constant 0 : i32
      %dma_start3A_63 = tpu.memref_slice %arg5[%add3A_18, %dma_start3A_62] : memref<10112x128xf32, #tpu.memory_space<vmem_shared>> -> memref<120x128xf32, #tpu.memory_space<vmem_shared>>
      %dma_start3A_64 = arith.constant 0 : i32
      %dma_start3A_65 = tpu.memref_slice %arg5[%add3A_18, %dma_start3A_64] : memref<10112x128xf32, #tpu.memory_space<vmem_shared>> -> memref<120x128xf32, #tpu.memory_space<vmem_shared>>
      %dma_start3A_66 = arith.constant 0 : i32
      %dma_start3A_67 = arith.constant 0 : i32
      %dma_start3A_68 = tpu.memref_slice %arg12[%dma_start3A_66, %dma_start3A_67] : memref<128x128xf32, #tpu.memory_space<vmem>> -> memref<120x128xf32, #tpu.memory_space<vmem>>
      tpu.enqueue_dma source(%dma_start3A_68 : memref<120x128xf32, #tpu.memory_space<vmem>>) target(%dma_start3A_65 : memref<120x128xf32, #tpu.memory_space<vmem_shared>>) target_semaphore(%run_scoped3A : memref<!tpu.dma_semaphore, #tpu.memory_space<semaphore_mem>>)
      %dma_wait3A_69 = arith.constant 0 : i32
      %dma_wait3A_70 = arith.constant 0 : i32
      %dma_wait3A_71 = tpu.memref_slice %arg12[%dma_wait3A_69, %dma_wait3A_70] : memref<128x128xf32, #tpu.memory_space<vmem>> -> memref<120x128xf32, #tpu.memory_space<vmem>>
      %dma_wait3A_72 = arith.constant 0 : i32
      %dma_wait3A_73 = tpu.memref_slice %arg5[%add3A_18, %dma_wait3A_72] : memref<10112x128xf32, #tpu.memory_space<vmem_shared>> -> memref<120x128xf32, #tpu.memory_space<vmem_shared>>
      %dma_wait3A_74 = arith.constant 0 : i32
      %dma_wait3A_75 = tpu.memref_slice %arg5[%add3A_18, %dma_wait3A_74] : memref<10112x128xf32, #tpu.memory_space<vmem_shared>> -> memref<120x128xf32, #tpu.memory_space<vmem_shared>>
      %dma_wait3A_76 = arith.constant 0 : i32
      %dma_wait3A_77 = arith.constant 0 : i32
      %dma_wait3A_78 = tpu.memref_slice %arg12[%dma_wait3A_76, %dma_wait3A_77] : memref<128x128xf32, #tpu.memory_space<vmem>> -> memref<120x128xf32, #tpu.memory_space<vmem>>
      tpu.wait_dma2 semaphore(%run_scoped3A : memref<!tpu.dma_semaphore, #tpu.memory_space<semaphore_mem>>) src(%dma_wait3A_78 : memref<120x128xf32, #tpu.memory_space<vmem>>) dst(%dma_wait3A_75 : memref<120x128xf32, #tpu.memory_space<vmem_shared>>)
      tpu.yield
    }) : () -> ()
    %barrier3A = arith.constant 0 : index
    tpu.barrier barrier_id(%barrier3A)
    %mul3A_19 = arith.constant 80 : i32
    %mul3A_20 = arith.muli %arg1, %mul3A_19 : i32
    %add3A_21 = arith.constant 0 : i32
    %add3A_22 = arith.addi %mul3A_20, %add3A_21 : i32
    %dma_start3A = arith.constant 0 : i32
    %dma_start3A_23 = arith.constant 0 : i32
    %dma_start3A_24 = tpu.memref_slice %arg2[%add3A_22, %dma_start3A, %dma_start3A_23] : memref<1280x2x128xi32, #tpu.memory_space<hbm>> -> memref<1x2x128xi32, #tpu.memory_space<hbm>>
    %dma_start3A_25 = tpu.memref_squeeze %dma_start3A_24 : memref<1x2x128xi32, #tpu.memory_space<hbm>> -> memref<2x128xi32, #tpu.memory_space<hbm>>
    %dma_start3A_26 = arith.constant 0 : i32
    %dma_start3A_27 = arith.constant 0 : i32
    %dma_start3A_28 = tpu.memref_slice %arg2[%add3A_22, %dma_start3A_26, %dma_start3A_27] : memref<1280x2x128xi32, #tpu.memory_space<hbm>> -> memref<1x2x128xi32, #tpu.memory_space<hbm>>
    %dma_start3A_29 = tpu.memref_squeeze %dma_start3A_28 : memref<1x2x128xi32, #tpu.memory_space<hbm>> -> memref<2x128xi32, #tpu.memory_space<hbm>>
    tpu.enqueue_dma source(%dma_start3A_29 : memref<2x128xi32, #tpu.memory_space<hbm>>) target(%arg6 : memref<2x128xi32, #tpu.memory_space<vmem>>) target_semaphore(%arg14 : memref<!tpu.dma_semaphore, #tpu.memory_space<semaphore_mem>>)
    %mul3A_30 = arith.constant 80 : i32
    %mul3A_31 = arith.muli %arg1, %mul3A_30 : i32
    %add3A_32 = arith.constant 1 : i32
    %add3A_33 = arith.addi %mul3A_31, %add3A_32 : i32
    %dma_start3A_34 = arith.constant 0 : i32
    %dma_start3A_35 = arith.constant 0 : i32
    %dma_start3A_36 = tpu.memref_slice %arg2[%add3A_33, %dma_start3A_34, %dma_start3A_35] : memref<1280x2x128xi32, #tpu.memory_space<hbm>> -> memref<1x2x128xi32, #tpu.memory_space<hbm>>
    %dma_start3A_37 = tpu.memref_squeeze %dma_start3A_36 : memref<1x2x128xi32, #tpu.memory_space<hbm>> -> memref<2x128xi32, #tpu.memory_space<hbm>>
    %dma_start3A_38 = arith.constant 0 : i32
    %dma_start3A_39 = arith.constant 0 : i32
    %dma_start3A_40 = tpu.memref_slice %arg2[%add3A_33, %dma_start3A_38, %dma_start3A_39] : memref<1280x2x128xi32, #tpu.memory_space<hbm>> -> memref<1x2x128xi32, #tpu.memory_space<hbm>>
    %dma_start3A_41 = tpu.memref_squeeze %dma_start3A_40 : memref<1x2x128xi32, #tpu.memory_space<hbm>> -> memref<2x128xi32, #tpu.memory_space<hbm>>
    tpu.enqueue_dma source(%dma_start3A_41 : memref<2x128xi32, #tpu.memory_space<hbm>>) target(%arg7 : memref<2x128xi32, #tpu.memory_space<vmem>>) target_semaphore(%arg15 : memref<!tpu.dma_semaphore, #tpu.memory_space<semaphore_mem>>)
    %scan3A_42 = arith.constant 0 : i32
    %scan3A_43 = arith.constant 40 : i32
    %scan3A_44 = arith.addi %scan3A_42, %scan3A_43 : i32
    %scan3A_45 = arith.constant 1 : i32
    scf.for %scan3A_59 = %scan3A_42 to %scan3A_44 step %scan3A_45  : i32 {
      %mul3A_60 = arith.constant 2 : i32
      %mul3A_61 = arith.muli %scan3A_59, %mul3A_60 : i32
      %add3A_62 = arith.constant 0 : i32
      %add3A_63 = arith.addi %add3A_62, %mul3A_61 : i32
      %add3A_64 = arith.constant 0 : i32
      %add3A_65 = arith.addi %add3A_63, %add3A_64 : i32
      %gt3A = arith.constant 0 : i32
      %gt3A_66 = arith.cmpi sgt, %add3A_63, %gt3A : i32
      %convert_element_type3A = arith.extui %gt3A_66 : i1 to i32
      %cond3A = arith.constant 0 : i32
      %cond3A_67 = arith.cmpi ne, %convert_element_type3A, %cond3A : i32
      scf.if %cond3A_67 {
        %dma_wait3A_137 = arith.constant 0 : i32
        %dma_wait3A_138 = arith.constant 0 : i32
        %dma_wait3A_139 = tpu.memref_slice %arg5[%dma_wait3A_137, %dma_wait3A_138] : memref<10112x128xf32, #tpu.memory_space<vmem_shared>> -> memref<10112x128xf32, #tpu.memory_space<vmem_shared>>
        tpu.wait_indirect_dma semaphore(%arg18 : memref<!tpu.dma_semaphore, #tpu.memory_space<semaphore_mem>>) src(%arg12 : memref<128x128xf32, #tpu.memory_space<vmem>>) dst(%dma_wait3A_139 : memref<10112x128xf32, #tpu.memory_space<vmem_shared>>)
      } else {
      }
      %mul3A_68 = arith.constant 80 : i32
      %mul3A_69 = arith.muli %arg1, %mul3A_68 : i32
      %add3A_70 = arith.addi %mul3A_69, %add3A_65 : i32
      %dma_wait3A_71 = arith.constant 0 : i32
      %dma_wait3A_72 = arith.constant 0 : i32
      %dma_wait3A_73 = tpu.memref_slice %arg2[%add3A_70, %dma_wait3A_71, %dma_wait3A_72] : memref<1280x2x128xi32, #tpu.memory_space<hbm>> -> memref<1x2x128xi32, #tpu.memory_space<hbm>>
      %dma_wait3A_74 = tpu.memref_squeeze %dma_wait3A_73 : memref<1x2x128xi32, #tpu.memory_space<hbm>> -> memref<2x128xi32, #tpu.memory_space<hbm>>
      %dma_wait3A_75 = arith.constant 0 : i32
      %dma_wait3A_76 = arith.constant 0 : i32
      %dma_wait3A_77 = tpu.memref_slice %arg2[%add3A_70, %dma_wait3A_75, %dma_wait3A_76] : memref<1280x2x128xi32, #tpu.memory_space<hbm>> -> memref<1x2x128xi32, #tpu.memory_space<hbm>>
      %dma_wait3A_78 = tpu.memref_squeeze %dma_wait3A_77 : memref<1x2x128xi32, #tpu.memory_space<hbm>> -> memref<2x128xi32, #tpu.memory_space<hbm>>
      tpu.wait_dma2 semaphore(%arg14 : memref<!tpu.dma_semaphore, #tpu.memory_space<semaphore_mem>>) src(%dma_wait3A_78 : memref<2x128xi32, #tpu.memory_space<hbm>>) dst(%arg6 : memref<2x128xi32, #tpu.memory_space<vmem>>)
      %scan3A_79 = arith.constant 0 : i32
      %scan3A_80 = arith.constant 8 : i32
      %scan3A_81 = arith.addi %scan3A_79, %scan3A_80 : i32
      %scan3A_82 = arith.constant 1 : i32
      scf.for %scan3A_137 = %scan3A_79 to %scan3A_81 step %scan3A_82  : i32 {
        %mul3A_138 = arith.constant 16 : i32
        %mul3A_139 = arith.muli %scan3A_137, %mul3A_138 : i32
        %add3A_140 = arith.constant 0 : i32
        %add3A_141 = arith.addi %add3A_140, %mul3A_139 : i32
        %get3A = arith.constant 1 : i32
        %get3A_142 = arith.index_cast %get3A : i32 to index
        %get3A_143 = arith.index_cast %add3A_141 : i32 to index
        %get3A_144 = tpu.vector_load %arg6[%get3A_142, %get3A_143] {strides = array<i32>} : memref<2x128xi32, #tpu.memory_space<vmem>>, vector<1x16xi32>,
        %get3A_145 = vector.shape_cast %get3A_144 : vector<1x16xi32> to vector<16xi32>
        %get3A_146 = arith.constant 0 : i32
        %get3A_147 = arith.index_cast %get3A_146 : i32 to index
        %get3A_148 = arith.index_cast %add3A_141 : i32 to index
        %get3A_149 = tpu.vector_load %arg6[%get3A_147, %get3A_148] {strides = array<i32>} : memref<2x128xi32, #tpu.memory_space<vmem>>, vector<1x16xi32>,
        %get3A_150 = vector.shape_cast %get3A_149 : vector<1x16xi32> to vector<16xi32>
        %add3A_151 = vector.broadcast %mul3A_0 : i32 to vector<16xi32>
        %add3A_152 = arith.addi %get3A_150, %add3A_151 : vector<16xi32>
        %swap3A = arith.index_cast %add3A_141 : i32 to index
        %swap3A_153 = tpu.vector_load %arg8[%swap3A] {strides = array<i32>} : memref<128xi32, #tpu.memory_space<vmem>>, vector<16xi32>,
        %swap3A_154 = vector.shape_cast %swap3A_153 : vector<16xi32> to vector<16xi32>
        %swap3A_155 = vector.shape_cast %add3A_152 : vector<16xi32> to vector<16xi32>
        tpu.vector_store %arg8[%swap3A], %swap3A_155 {strides = array<i32>} : memref<128xi32, #tpu.memory_space<vmem>>, vector<16xi32>,
        %ge3A = arith.constant 10000 : i32
        %ge3A_156 = vector.broadcast %ge3A : i32 to vector<16xi32>
        %ge3A_157 = arith.cmpi sge, %get3A_145, %ge3A_156 : vector<16xi32>
        %eq3A = arith.cmpi eq, %get3A_145, %get3A_150 : vector<16xi32>
        %or3A = arith.ori %ge3A_157, %eq3A : vector<16xi1>
        %select_n3A = arith.select %or3A, %add3A_2, %get3A_145 : vector<16xi1>, vector<16xi32>
        %swap3A_158 = arith.index_cast %add3A_141 : i32 to index
        %swap3A_159 = tpu.vector_load %arg10[%swap3A_158] {strides = array<i32>} : memref<128xi32, #tpu.memory_space<vmem>>, vector<16xi32>,
        %swap3A_160 = vector.shape_cast %swap3A_159 : vector<16xi32> to vector<16xi32>
        %swap3A_161 = vector.shape_cast %select_n3A : vector<16xi32> to vector<16xi32>
        tpu.vector_store %arg10[%swap3A_158], %swap3A_161 {strides = array<i32>} : memref<128xi32, #tpu.memory_space<vmem>>, vector<16xi32>,
      }
      %scan3A_83 = arith.constant 8 : i32
      %add3A_84 = arith.constant 2 : i32
      %add3A_85 = arith.addi %add3A_65, %add3A_84 : i32
      %lt3A = arith.constant 80 : i32
      %lt3A_86 = arith.cmpi slt, %add3A_85, %lt3A : i32
      %convert_element_type3A_87 = arith.extui %lt3A_86 : i1 to i32
      %cond3A_88 = arith.constant 0 : i32
      %cond3A_89 = arith.cmpi ne, %convert_element_type3A_87, %cond3A_88 : i32
      scf.if %cond3A_89 {
        %add3A_137 = arith.constant 2 : i32
        %add3A_138 = arith.addi %add3A_65, %add3A_137 : i32
        %mul3A_139 = arith.constant 80 : i32
        %mul3A_140 = arith.muli %arg1, %mul3A_139 : i32
        %add3A_141 = arith.addi %mul3A_140, %add3A_138 : i32
        %dma_start3A_142 = arith.constant 0 : i32
        %dma_start3A_143 = arith.constant 0 : i32
        %dma_start3A_144 = tpu.memref_slice %arg2[%add3A_141, %dma_start3A_142, %dma_start3A_143] : memref<1280x2x128xi32, #tpu.memory_space<hbm>> -> memref<1x2x128xi32, #tpu.memory_space<hbm>>
        %dma_start3A_145 = tpu.memref_squeeze %dma_start3A_144 : memref<1x2x128xi32, #tpu.memory_space<hbm>> -> memref<2x128xi32, #tpu.memory_space<hbm>>
        %dma_start3A_146 = arith.constant 0 : i32
        %dma_start3A_147 = arith.constant 0 : i32
        %dma_start3A_148 = tpu.memref_slice %arg2[%add3A_141, %dma_start3A_146, %dma_start3A_147] : memref<1280x2x128xi32, #tpu.memory_space<hbm>> -> memref<1x2x128xi32, #tpu.memory_space<hbm>>
        %dma_start3A_149 = tpu.memref_squeeze %dma_start3A_148 : memref<1x2x128xi32, #tpu.memory_space<hbm>> -> memref<2x128xi32, #tpu.memory_space<hbm>>
        tpu.enqueue_dma source(%dma_start3A_149 : memref<2x128xi32, #tpu.memory_space<hbm>>) target(%arg6 : memref<2x128xi32, #tpu.memory_space<vmem>>) target_semaphore(%arg14 : memref<!tpu.dma_semaphore, #tpu.memory_space<semaphore_mem>>)
      } else {
      }
      %dma_start3A_90 = arith.constant 0 : i32
      %dma_start3A_91 = arith.constant 0 : i32
      %dma_start3A_92 = tpu.memref_slice %arg3[%dma_start3A_90, %dma_start3A_91] : memref<20000x128xf32, #tpu.memory_space<hbm>> -> memref<20000x128xf32, #tpu.memory_space<hbm>>
      tpu.enqueue_indirect_dma source(%dma_start3A_92 : memref<20000x128xf32, #tpu.memory_space<hbm>>) target(%arg12 : memref<128x128xf32, #tpu.memory_space<vmem>>) offsets(%arg8 : memref<128xi32, #tpu.memory_space<vmem>>) semaphore(%arg16 : memref<!tpu.dma_semaphore, #tpu.memory_space<semaphore_mem>>)
      %gt3A_93 = arith.constant 0 : i32
      %gt3A_94 = arith.cmpi sgt, %add3A_63, %gt3A_93 : i32
      %convert_element_type3A_95 = arith.extui %gt3A_94 : i1 to i32
      %cond3A_96 = arith.constant 0 : i32
      %cond3A_97 = arith.cmpi ne, %convert_element_type3A_95, %cond3A_96 : i32
      scf.if %cond3A_97 {
        %dma_wait3A_137 = arith.constant 0 : i32
        %dma_wait3A_138 = arith.constant 0 : i32
        %dma_wait3A_139 = tpu.memref_slice %arg3[%dma_wait3A_137, %dma_wait3A_138] : memref<20000x128xf32, #tpu.memory_space<hbm>> -> memref<20000x128xf32, #tpu.memory_space<hbm>>
        tpu.wait_indirect_dma semaphore(%arg17 : memref<!tpu.dma_semaphore, #tpu.memory_space<semaphore_mem>>) src(%dma_wait3A_139 : memref<20000x128xf32, #tpu.memory_space<hbm>>) dst(%arg13 : memref<128x128xf32, #tpu.memory_space<vmem>>)
        %dma_start3A_140 = arith.constant 0 : i32
        %dma_start3A_141 = arith.constant 0 : i32
        %dma_start3A_142 = tpu.memref_slice %arg5[%dma_start3A_140, %dma_start3A_141] : memref<10112x128xf32, #tpu.memory_space<vmem_shared>> -> memref<10112x128xf32, #tpu.memory_space<vmem_shared>>
        tpu.enqueue_indirect_dma source(%arg13 : memref<128x128xf32, #tpu.memory_space<vmem>>) target(%dma_start3A_142 : memref<10112x128xf32, #tpu.memory_space<vmem_shared>>) offsets(%arg11 : memref<128xi32, #tpu.memory_space<vmem>>) semaphore(%arg19 : memref<!tpu.dma_semaphore, #tpu.memory_space<semaphore_mem>>) {add = true}
      } else {
      }
      %add3A_98 = arith.constant 1 : i32
      %add3A_99 = arith.addi %add3A_63, %add3A_98 : i32
      %gt3A_100 = arith.constant 0 : i32
      %gt3A_101 = arith.cmpi sgt, %add3A_63, %gt3A_100 : i32
      %convert_element_type3A_102 = arith.extui %gt3A_101 : i1 to i32
      %cond3A_103 = arith.constant 0 : i32
      %cond3A_104 = arith.cmpi ne, %convert_element_type3A_102, %cond3A_103 : i32
      scf.if %cond3A_104 {
        %dma_wait3A_137 = arith.constant 0 : i32
        %dma_wait3A_138 = arith.constant 0 : i32
        %dma_wait3A_139 = tpu.memref_slice %arg5[%dma_wait3A_137, %dma_wait3A_138] : memref<10112x128xf32, #tpu.memory_space<vmem_shared>> -> memref<10112x128xf32, #tpu.memory_space<vmem_shared>>
        tpu.wait_indirect_dma semaphore(%arg19 : memref<!tpu.dma_semaphore, #tpu.memory_space<semaphore_mem>>) src(%arg13 : memref<128x128xf32, #tpu.memory_space<vmem>>) dst(%dma_wait3A_139 : memref<10112x128xf32, #tpu.memory_space<vmem_shared>>)
      } else {
      }
      %mul3A_105 = arith.constant 80 : i32
      %mul3A_106 = arith.muli %arg1, %mul3A_105 : i32
      %add3A_107 = arith.addi %mul3A_106, %add3A_99 : i32
      %dma_wait3A_108 = arith.constant 0 : i32
      %dma_wait3A_109 = arith.constant 0 : i32
      %dma_wait3A_110 = tpu.memref_slice %arg2[%add3A_107, %dma_wait3A_108, %dma_wait3A_109] : memref<1280x2x128xi32, #tpu.memory_space<hbm>> -> memref<1x2x128xi32, #tpu.memory_space<hbm>>
      %dma_wait3A_111 = tpu.memref_squeeze %dma_wait3A_110 : memref<1x2x128xi32, #tpu.memory_space<hbm>> -> memref<2x128xi32, #tpu.memory_space<hbm>>
      %dma_wait3A_112 = arith.constant 0 : i32
      %dma_wait3A_113 = arith.constant 0 : i32
      %dma_wait3A_114 = tpu.memref_slice %arg2[%add3A_107, %dma_wait3A_112, %dma_wait3A_113] : memref<1280x2x128xi32, #tpu.memory_space<hbm>> -> memref<1x2x128xi32, #tpu.memory_space<hbm>>
      %dma_wait3A_115 = tpu.memref_squeeze %dma_wait3A_114 : memref<1x2x128xi32, #tpu.memory_space<hbm>> -> memref<2x128xi32, #tpu.memory_space<hbm>>
      tpu.wait_dma2 semaphore(%arg15 : memref<!tpu.dma_semaphore, #tpu.memory_space<semaphore_mem>>) src(%dma_wait3A_115 : memref<2x128xi32, #tpu.memory_space<hbm>>) dst(%arg7 : memref<2x128xi32, #tpu.memory_space<vmem>>)
      %scan3A_116 = arith.constant 0 : i32
      %scan3A_117 = arith.constant 8 : i32
      %scan3A_118 = arith.addi %scan3A_116, %scan3A_117 : i32
      %scan3A_119 = arith.constant 1 : i32
      scf.for %scan3A_137 = %scan3A_116 to %scan3A_118 step %scan3A_119  : i32 {
        %mul3A_138 = arith.constant 16 : i32
        %mul3A_139 = arith.muli %scan3A_137, %mul3A_138 : i32
        %add3A_140 = arith.constant 0 : i32
        %add3A_141 = arith.addi %add3A_140, %mul3A_139 : i32
        %get3A = arith.constant 1 : i32
        %get3A_142 = arith.index_cast %get3A : i32 to index
        %get3A_143 = arith.index_cast %add3A_141 : i32 to index
        %get3A_144 = tpu.vector_load %arg7[%get3A_142, %get3A_143] {strides = array<i32>} : memref<2x128xi32, #tpu.memory_space<vmem>>, vector<1x16xi32>,
        %get3A_145 = vector.shape_cast %get3A_144 : vector<1x16xi32> to vector<16xi32>
        %get3A_146 = arith.constant 0 : i32
        %get3A_147 = arith.index_cast %get3A_146 : i32 to index
        %get3A_148 = arith.index_cast %add3A_141 : i32 to index
        %get3A_149 = tpu.vector_load %arg7[%get3A_147, %get3A_148] {strides = array<i32>} : memref<2x128xi32, #tpu.memory_space<vmem>>, vector<1x16xi32>,
        %get3A_150 = vector.shape_cast %get3A_149 : vector<1x16xi32> to vector<16xi32>
        %add3A_151 = vector.broadcast %mul3A_0 : i32 to vector<16xi32>
        %add3A_152 = arith.addi %get3A_150, %add3A_151 : vector<16xi32>
        %swap3A = arith.index_cast %add3A_141 : i32 to index
        %swap3A_153 = tpu.vector_load %arg9[%swap3A] {strides = array<i32>} : memref<128xi32, #tpu.memory_space<vmem>>, vector<16xi32>,
        %swap3A_154 = vector.shape_cast %swap3A_153 : vector<16xi32> to vector<16xi32>
        %swap3A_155 = vector.shape_cast %add3A_152 : vector<16xi32> to vector<16xi32>
        tpu.vector_store %arg9[%swap3A], %swap3A_155 {strides = array<i32>} : memref<128xi32, #tpu.memory_space<vmem>>, vector<16xi32>,
        %ge3A = arith.constant 10000 : i32
        %ge3A_156 = vector.broadcast %ge3A : i32 to vector<16xi32>
        %ge3A_157 = arith.cmpi sge, %get3A_145, %ge3A_156 : vector<16xi32>
        %eq3A = arith.cmpi eq, %get3A_145, %get3A_150 : vector<16xi32>
        %or3A = arith.ori %ge3A_157, %eq3A : vector<16xi1>
        %select_n3A = arith.select %or3A, %add3A_2, %get3A_145 : vector<16xi1>, vector<16xi32>
        %swap3A_158 = arith.index_cast %add3A_141 : i32 to index
        %swap3A_159 = tpu.vector_load %arg11[%swap3A_158] {strides = array<i32>} : memref<128xi32, #tpu.memory_space<vmem>>, vector<16xi32>,
        %swap3A_160 = vector.shape_cast %swap3A_159 : vector<16xi32> to vector<16xi32>
        %swap3A_161 = vector.shape_cast %select_n3A : vector<16xi32> to vector<16xi32>
        tpu.vector_store %arg11[%swap3A_158], %swap3A_161 {strides = array<i32>} : memref<128xi32, #tpu.memory_space<vmem>>, vector<16xi32>,
      }
      %scan3A_120 = arith.constant 8 : i32
      %add3A_121 = arith.constant 2 : i32
      %add3A_122 = arith.addi %add3A_99, %add3A_121 : i32
      %lt3A_123 = arith.constant 80 : i32
      %lt3A_124 = arith.cmpi slt, %add3A_122, %lt3A_123 : i32
      %convert_element_type3A_125 = arith.extui %lt3A_124 : i1 to i32
      %cond3A_126 = arith.constant 0 : i32
      %cond3A_127 = arith.cmpi ne, %convert_element_type3A_125, %cond3A_126 : i32
      scf.if %cond3A_127 {
        %add3A_137 = arith.constant 2 : i32
        %add3A_138 = arith.addi %add3A_99, %add3A_137 : i32
        %mul3A_139 = arith.constant 80 : i32
        %mul3A_140 = arith.muli %arg1, %mul3A_139 : i32
        %add3A_141 = arith.addi %mul3A_140, %add3A_138 : i32
        %dma_start3A_142 = arith.constant 0 : i32
        %dma_start3A_143 = arith.constant 0 : i32
        %dma_start3A_144 = tpu.memref_slice %arg2[%add3A_141, %dma_start3A_142, %dma_start3A_143] : memref<1280x2x128xi32, #tpu.memory_space<hbm>> -> memref<1x2x128xi32, #tpu.memory_space<hbm>>
        %dma_start3A_145 = tpu.memref_squeeze %dma_start3A_144 : memref<1x2x128xi32, #tpu.memory_space<hbm>> -> memref<2x128xi32, #tpu.memory_space<hbm>>
        %dma_start3A_146 = arith.constant 0 : i32
        %dma_start3A_147 = arith.constant 0 : i32
        %dma_start3A_148 = tpu.memref_slice %arg2[%add3A_141, %dma_start3A_146, %dma_start3A_147] : memref<1280x2x128xi32, #tpu.memory_space<hbm>> -> memref<1x2x128xi32, #tpu.memory_space<hbm>>
        %dma_start3A_149 = tpu.memref_squeeze %dma_start3A_148 : memref<1x2x128xi32, #tpu.memory_space<hbm>> -> memref<2x128xi32, #tpu.memory_space<hbm>>
        tpu.enqueue_dma source(%dma_start3A_149 : memref<2x128xi32, #tpu.memory_space<hbm>>) target(%arg7 : memref<2x128xi32, #tpu.memory_space<vmem>>) target_semaphore(%arg15 : memref<!tpu.dma_semaphore, #tpu.memory_space<semaphore_mem>>)
      } else {
      }
      %dma_start3A_128 = arith.constant 0 : i32
      %dma_start3A_129 = arith.constant 0 : i32
      %dma_start3A_130 = tpu.memref_slice %arg3[%dma_start3A_128, %dma_start3A_129] : memref<20000x128xf32, #tpu.memory_space<hbm>> -> memref<20000x128xf32, #tpu.memory_space<hbm>>
      tpu.enqueue_indirect_dma source(%dma_start3A_130 : memref<20000x128xf32, #tpu.memory_space<hbm>>) target(%arg13 : memref<128x128xf32, #tpu.memory_space<vmem>>) offsets(%arg9 : memref<128xi32, #tpu.memory_space<vmem>>) semaphore(%arg17 : memref<!tpu.dma_semaphore, #tpu.memory_space<semaphore_mem>>)
      %dma_wait3A_131 = arith.constant 0 : i32
      %dma_wait3A_132 = arith.constant 0 : i32
      %dma_wait3A_133 = tpu.memref_slice %arg3[%dma_wait3A_131, %dma_wait3A_132] : memref<20000x128xf32, #tpu.memory_space<hbm>> -> memref<20000x128xf32, #tpu.memory_space<hbm>>
      tpu.wait_indirect_dma semaphore(%arg16 : memref<!tpu.dma_semaphore, #tpu.memory_space<semaphore_mem>>) src(%dma_wait3A_133 : memref<20000x128xf32, #tpu.memory_space<hbm>>) dst(%arg12 : memref<128x128xf32, #tpu.memory_space<vmem>>)
      %dma_start3A_134 = arith.constant 0 : i32
      %dma_start3A_135 = arith.constant 0 : i32
      %dma_start3A_136 = tpu.memref_slice %arg5[%dma_start3A_134, %dma_start3A_135] : memref<10112x128xf32, #tpu.memory_space<vmem_shared>> -> memref<10112x128xf32, #tpu.memory_space<vmem_shared>>
      tpu.enqueue_indirect_dma source(%arg12 : memref<128x128xf32, #tpu.memory_space<vmem>>) target(%dma_start3A_136 : memref<10112x128xf32, #tpu.memory_space<vmem_shared>>) offsets(%arg10 : memref<128xi32, #tpu.memory_space<vmem>>) semaphore(%arg18 : memref<!tpu.dma_semaphore, #tpu.memory_space<semaphore_mem>>) {add = true}
    }
    %scan3A_46 = arith.constant 40 : i32
    %dma_wait3A = arith.constant 0 : i32
    %dma_wait3A_47 = arith.constant 0 : i32
    %dma_wait3A_48 = tpu.memref_slice %arg3[%dma_wait3A, %dma_wait3A_47] : memref<20000x128xf32, #tpu.memory_space<hbm>> -> memref<20000x128xf32, #tpu.memory_space<hbm>>
    tpu.wait_indirect_dma semaphore(%arg17 : memref<!tpu.dma_semaphore, #tpu.memory_space<semaphore_mem>>) src(%dma_wait3A_48 : memref<20000x128xf32, #tpu.memory_space<hbm>>) dst(%arg13 : memref<128x128xf32, #tpu.memory_space<vmem>>)
    %dma_start3A_49 = arith.constant 0 : i32
    %dma_start3A_50 = arith.constant 0 : i32
    %dma_start3A_51 = tpu.memref_slice %arg5[%dma_start3A_49, %dma_start3A_50] : memref<10112x128xf32, #tpu.memory_space<vmem_shared>> -> memref<10112x128xf32, #tpu.memory_space<vmem_shared>>
    tpu.enqueue_indirect_dma source(%arg13 : memref<128x128xf32, #tpu.memory_space<vmem>>) target(%dma_start3A_51 : memref<10112x128xf32, #tpu.memory_space<vmem_shared>>) offsets(%arg11 : memref<128xi32, #tpu.memory_space<vmem>>) semaphore(%arg19 : memref<!tpu.dma_semaphore, #tpu.memory_space<semaphore_mem>>) {add = true}
    %dma_wait3A_52 = arith.constant 0 : i32
    %dma_wait3A_53 = arith.constant 0 : i32
    %dma_wait3A_54 = tpu.memref_slice %arg5[%dma_wait3A_52, %dma_wait3A_53] : memref<10112x128xf32, #tpu.memory_space<vmem_shared>> -> memref<10112x128xf32, #tpu.memory_space<vmem_shared>>
    tpu.wait_indirect_dma semaphore(%arg18 : memref<!tpu.dma_semaphore, #tpu.memory_space<semaphore_mem>>) src(%arg12 : memref<128x128xf32, #tpu.memory_space<vmem>>) dst(%dma_wait3A_54 : memref<10112x128xf32, #tpu.memory_space<vmem_shared>>)
    %dma_wait3A_55 = arith.constant 0 : i32
    %dma_wait3A_56 = arith.constant 0 : i32
    %dma_wait3A_57 = tpu.memref_slice %arg5[%dma_wait3A_55, %dma_wait3A_56] : memref<10112x128xf32, #tpu.memory_space<vmem_shared>> -> memref<10112x128xf32, #tpu.memory_space<vmem_shared>>
    tpu.wait_indirect_dma semaphore(%arg19 : memref<!tpu.dma_semaphore, #tpu.memory_space<semaphore_mem>>) src(%arg13 : memref<128x128xf32, #tpu.memory_space<vmem>>) dst(%dma_wait3A_57 : memref<10112x128xf32, #tpu.memory_space<vmem_shared>>)
    %barrier3A_58 = arith.constant 0 : index
    tpu.barrier barrier_id(%barrier3A_58)
    "tpu.region"() ({
      %run_scoped3A = tpu.sem_alloc : memref<!tpu.dma_semaphore, #tpu.memory_space<semaphore_mem>>
      %dma_start3A_59 = arith.constant 0 : i32
      %dma_start3A_60 = tpu.memref_slice %arg4[%arg0, %mul3A_8, %dma_start3A_59] : memref<2x10112x128xf32, #tpu.memory_space<hbm>> -> memref<1x632x128xf32, #tpu.memory_space<hbm>>
      %dma_start3A_61 = tpu.memref_squeeze %dma_start3A_60 : memref<1x632x128xf32, #tpu.memory_space<hbm>> -> memref<632x128xf32, #tpu.memory_space<hbm>>
      %dma_start3A_62 = arith.constant 0 : i32
      %dma_start3A_63 = tpu.memref_slice %arg5[%mul3A_8, %dma_start3A_62] : memref<10112x128xf32, #tpu.memory_space<vmem_shared>> -> memref<632x128xf32, #tpu.memory_space<vmem_shared>>
      tpu.enqueue_dma source(%dma_start3A_63 : memref<632x128xf32, #tpu.memory_space<vmem_shared>>) target(%dma_start3A_61 : memref<632x128xf32, #tpu.memory_space<hbm>>) target_semaphore(%run_scoped3A : memref<!tpu.dma_semaphore, #tpu.memory_space<semaphore_mem>>)
      %dma_wait3A_64 = arith.constant 0 : i32
      %dma_wait3A_65 = tpu.memref_slice %arg4[%arg0, %mul3A_8, %dma_wait3A_64] : memref<2x10112x128xf32, #tpu.memory_space<hbm>> -> memref<1x632x128xf32, #tpu.memory_space<hbm>>
      %dma_wait3A_66 = tpu.memref_squeeze %dma_wait3A_65 : memref<1x632x128xf32, #tpu.memory_space<hbm>> -> memref<632x128xf32, #tpu.memory_space<hbm>>
      %dma_wait3A_67 = arith.constant 0 : i32
      %dma_wait3A_68 = tpu.memref_slice %arg5[%mul3A_8, %dma_wait3A_67] : memref<10112x128xf32, #tpu.memory_space<vmem_shared>> -> memref<632x128xf32, #tpu.memory_space<vmem_shared>>
      tpu.wait_dma2 semaphore(%run_scoped3A : memref<!tpu.dma_semaphore, #tpu.memory_space<semaphore_mem>>) src(%dma_wait3A_68 : memref<632x128xf32, #tpu.memory_space<vmem_shared>>) dst(%dma_wait3A_66 : memref<632x128xf32, #tpu.memory_space<hbm>>)
      tpu.yield
    }) : () -> ()
    return
  }
}

#map = affine_map<(d0, d1) -> (0, 0)>
#map1 = affine_map<(d0, d1) -> (0, 0, 0)>
module attributes {stable_mosaic.version = 14 : i64} {
  func.func @_sc_degree(%arg0: i32, %arg1: i32, %arg2: memref<1280x128xi32, #tpu.memory_space<hbm>>, %arg3: memref<1280x128xi32, #tpu.memory_space<hbm>>, %arg4: memref<2x10112x64xf32, #tpu.memory_space<hbm>>, %arg5: memref<10112x64xf32, #tpu.memory_space<vmem_shared>>, %arg6: memref<40x128xi32, #tpu.memory_space<vmem>>, %arg7: memref<40x128xi32, #tpu.memory_space<vmem>>, %arg8: memref<128xi32, #tpu.memory_space<vmem>>, %arg9: memref<128xi32, #tpu.memory_space<vmem>>, %arg10: memref<128x64xf32, #tpu.memory_space<vmem>>, %arg11: memref<128x64xf32, #tpu.memory_space<vmem>>, %arg12: memref<!tpu.dma_semaphore, #tpu.memory_space<semaphore_mem>>, %arg13: memref<!tpu.dma_semaphore, #tpu.memory_space<semaphore_mem>>) attributes {dimension_semantics = [#tpu.dimension_semantics<core_parallel>, #tpu.dimension_semantics<subcore_parallel>], iteration_bounds = array<i64: 2, 16>, scalar_prefetch = 0 : i64, scratch_operands = 9 : i64, tpu.core_type = #tpu.core_type<sc_vector_subcore>, window_params = [{transform_indices = #map}, {transform_indices = #map}, {transform_indices = #map1}]} {
    %scan3A = arith.constant 0 : i32
    %scan3A_0 = arith.constant 128 : i32
    %scan3A_1 = arith.addi %scan3A, %scan3A_0 : i32
    %scan3A_2 = arith.constant 1 : i32
    scf.for %scan3A_33 = %scan3A to %scan3A_1 step %scan3A_2  : i32 {
      %mul3A_34 = arith.constant 1 : i32
      %mul3A_35 = arith.muli %scan3A_33, %mul3A_34 : i32
      %add3A_36 = arith.constant 0 : i32
      %add3A_37 = arith.addi %add3A_36, %mul3A_35 : i32
      %scan3A_38 = arith.constant 0 : i32
      %scan3A_39 = arith.constant 4 : i32
      %scan3A_40 = arith.addi %scan3A_38, %scan3A_39 : i32
      %scan3A_41 = arith.constant 1 : i32
      scf.for %scan3A_43 = %scan3A_38 to %scan3A_40 step %scan3A_41  : i32 {
        %mul3A_44 = arith.constant 16 : i32
        %mul3A_45 = arith.muli %scan3A_43, %mul3A_44 : i32
        %add3A_46 = arith.constant 0 : i32
        %add3A_47 = arith.addi %add3A_46, %mul3A_45 : i32
        %broadcast_in_dim3A = arith.constant 1.000000e+00 : f32
        %broadcast_in_dim3A_48 = vector.broadcast %broadcast_in_dim3A : f32 to vector<16xf32>
        %swap3A = arith.index_cast %add3A_37 : i32 to index
        %swap3A_49 = arith.index_cast %add3A_47 : i32 to index
        %swap3A_50 = tpu.vector_load %arg10[%swap3A, %swap3A_49] {strides = array<i32>} : memref<128x64xf32, #tpu.memory_space<vmem>>, vector<1x16xf32>,
        %swap3A_51 = vector.shape_cast %swap3A_50 : vector<1x16xf32> to vector<16xf32>
        %swap3A_52 = vector.shape_cast %broadcast_in_dim3A_48 : vector<16xf32> to vector<1x16xf32>
        tpu.vector_store %arg10[%swap3A, %swap3A_49], %swap3A_52 {strides = array<i32>} : memref<128x64xf32, #tpu.memory_space<vmem>>, vector<1x16xf32>,
        %broadcast_in_dim3A_53 = arith.constant 0.000000e+00 : f32
        %broadcast_in_dim3A_54 = vector.broadcast %broadcast_in_dim3A_53 : f32 to vector<16xf32>
        %swap3A_55 = arith.index_cast %add3A_37 : i32 to index
        %swap3A_56 = arith.index_cast %add3A_47 : i32 to index
        %swap3A_57 = tpu.vector_load %arg11[%swap3A_55, %swap3A_56] {strides = array<i32>} : memref<128x64xf32, #tpu.memory_space<vmem>>, vector<1x16xf32>,
        %swap3A_58 = vector.shape_cast %swap3A_57 : vector<1x16xf32> to vector<16xf32>
        %swap3A_59 = vector.shape_cast %broadcast_in_dim3A_54 : vector<16xf32> to vector<1x16xf32>
        tpu.vector_store %arg11[%swap3A_55, %swap3A_56], %swap3A_59 {strides = array<i32>} : memref<128x64xf32, #tpu.memory_space<vmem>>, vector<1x16xf32>,
      }
      %scan3A_42 = arith.constant 4 : i32
    }
    %scan3A_3 = arith.constant 128 : i32
    %mul3A = arith.constant 632 : i32
    %mul3A_4 = arith.muli %arg1, %mul3A : i32
    %add3A = arith.constant 0 : i32
    %add3A_5 = arith.addi %mul3A_4, %add3A : i32
    "tpu.region"() ({
      %run_scoped3A = tpu.sem_alloc : memref<!tpu.dma_semaphore, #tpu.memory_space<semaphore_mem>>
      %dma_start3A = arith.constant 0 : i32
      %dma_start3A_33 = tpu.memref_slice %arg5[%add3A_5, %dma_start3A] : memref<10112x64xf32, #tpu.memory_space<vmem_shared>> -> memref<128x64xf32, #tpu.memory_space<vmem_shared>>
      %dma_start3A_34 = arith.constant 0 : i32
      %dma_start3A_35 = tpu.memref_slice %arg5[%add3A_5, %dma_start3A_34] : memref<10112x64xf32, #tpu.memory_space<vmem_shared>> -> memref<128x64xf32, #tpu.memory_space<vmem_shared>>
      tpu.enqueue_dma source(%arg11 : memref<128x64xf32, #tpu.memory_space<vmem>>) target(%dma_start3A_35 : memref<128x64xf32, #tpu.memory_space<vmem_shared>>) target_semaphore(%run_scoped3A : memref<!tpu.dma_semaphore, #tpu.memory_space<semaphore_mem>>)
      %dma_wait3A_36 = arith.constant 0 : i32
      %dma_wait3A_37 = tpu.memref_slice %arg5[%add3A_5, %dma_wait3A_36] : memref<10112x64xf32, #tpu.memory_space<vmem_shared>> -> memref<128x64xf32, #tpu.memory_space<vmem_shared>>
      %dma_wait3A_38 = arith.constant 0 : i32
      %dma_wait3A_39 = tpu.memref_slice %arg5[%add3A_5, %dma_wait3A_38] : memref<10112x64xf32, #tpu.memory_space<vmem_shared>> -> memref<128x64xf32, #tpu.memory_space<vmem_shared>>
      tpu.wait_dma2 semaphore(%run_scoped3A : memref<!tpu.dma_semaphore, #tpu.memory_space<semaphore_mem>>) src(%arg11 : memref<128x64xf32, #tpu.memory_space<vmem>>) dst(%dma_wait3A_39 : memref<128x64xf32, #tpu.memory_space<vmem_shared>>)
      tpu.yield
    }) : () -> ()
    %add3A_6 = arith.constant 128 : i32
    %add3A_7 = arith.addi %mul3A_4, %add3A_6 : i32
    "tpu.region"() ({
      %run_scoped3A = tpu.sem_alloc : memref<!tpu.dma_semaphore, #tpu.memory_space<semaphore_mem>>
      %dma_start3A = arith.constant 0 : i32
      %dma_start3A_33 = tpu.memref_slice %arg5[%add3A_7, %dma_start3A] : memref<10112x64xf32, #tpu.memory_space<vmem_shared>> -> memref<128x64xf32, #tpu.memory_space<vmem_shared>>
      %dma_start3A_34 = arith.constant 0 : i32
      %dma_start3A_35 = tpu.memref_slice %arg5[%add3A_7, %dma_start3A_34] : memref<10112x64xf32, #tpu.memory_space<vmem_shared>> -> memref<128x64xf32, #tpu.memory_space<vmem_shared>>
      tpu.enqueue_dma source(%arg11 : memref<128x64xf32, #tpu.memory_space<vmem>>) target(%dma_start3A_35 : memref<128x64xf32, #tpu.memory_space<vmem_shared>>) target_semaphore(%run_scoped3A : memref<!tpu.dma_semaphore, #tpu.memory_space<semaphore_mem>>)
      %dma_wait3A_36 = arith.constant 0 : i32
      %dma_wait3A_37 = tpu.memref_slice %arg5[%add3A_7, %dma_wait3A_36] : memref<10112x64xf32, #tpu.memory_space<vmem_shared>> -> memref<128x64xf32, #tpu.memory_space<vmem_shared>>
      %dma_wait3A_38 = arith.constant 0 : i32
      %dma_wait3A_39 = tpu.memref_slice %arg5[%add3A_7, %dma_wait3A_38] : memref<10112x64xf32, #tpu.memory_space<vmem_shared>> -> memref<128x64xf32, #tpu.memory_space<vmem_shared>>
      tpu.wait_dma2 semaphore(%run_scoped3A : memref<!tpu.dma_semaphore, #tpu.memory_space<semaphore_mem>>) src(%arg11 : memref<128x64xf32, #tpu.memory_space<vmem>>) dst(%dma_wait3A_39 : memref<128x64xf32, #tpu.memory_space<vmem_shared>>)
      tpu.yield
    }) : () -> ()
    %add3A_8 = arith.constant 256 : i32
    %add3A_9 = arith.addi %mul3A_4, %add3A_8 : i32
    "tpu.region"() ({
      %run_scoped3A = tpu.sem_alloc : memref<!tpu.dma_semaphore, #tpu.memory_space<semaphore_mem>>
      %dma_start3A = arith.constant 0 : i32
      %dma_start3A_33 = tpu.memref_slice %arg5[%add3A_9, %dma_start3A] : memref<10112x64xf32, #tpu.memory_space<vmem_shared>> -> memref<128x64xf32, #tpu.memory_space<vmem_shared>>
      %dma_start3A_34 = arith.constant 0 : i32
      %dma_start3A_35 = tpu.memref_slice %arg5[%add3A_9, %dma_start3A_34] : memref<10112x64xf32, #tpu.memory_space<vmem_shared>> -> memref<128x64xf32, #tpu.memory_space<vmem_shared>>
      tpu.enqueue_dma source(%arg11 : memref<128x64xf32, #tpu.memory_space<vmem>>) target(%dma_start3A_35 : memref<128x64xf32, #tpu.memory_space<vmem_shared>>) target_semaphore(%run_scoped3A : memref<!tpu.dma_semaphore, #tpu.memory_space<semaphore_mem>>)
      %dma_wait3A_36 = arith.constant 0 : i32
      %dma_wait3A_37 = tpu.memref_slice %arg5[%add3A_9, %dma_wait3A_36] : memref<10112x64xf32, #tpu.memory_space<vmem_shared>> -> memref<128x64xf32, #tpu.memory_space<vmem_shared>>
      %dma_wait3A_38 = arith.constant 0 : i32
      %dma_wait3A_39 = tpu.memref_slice %arg5[%add3A_9, %dma_wait3A_38] : memref<10112x64xf32, #tpu.memory_space<vmem_shared>> -> memref<128x64xf32, #tpu.memory_space<vmem_shared>>
      tpu.wait_dma2 semaphore(%run_scoped3A : memref<!tpu.dma_semaphore, #tpu.memory_space<semaphore_mem>>) src(%arg11 : memref<128x64xf32, #tpu.memory_space<vmem>>) dst(%dma_wait3A_39 : memref<128x64xf32, #tpu.memory_space<vmem_shared>>)
      tpu.yield
    }) : () -> ()
    %add3A_10 = arith.constant 384 : i32
    %add3A_11 = arith.addi %mul3A_4, %add3A_10 : i32
    "tpu.region"() ({
      %run_scoped3A = tpu.sem_alloc : memref<!tpu.dma_semaphore, #tpu.memory_space<semaphore_mem>>
      %dma_start3A = arith.constant 0 : i32
      %dma_start3A_33 = tpu.memref_slice %arg5[%add3A_11, %dma_start3A] : memref<10112x64xf32, #tpu.memory_space<vmem_shared>> -> memref<128x64xf32, #tpu.memory_space<vmem_shared>>
      %dma_start3A_34 = arith.constant 0 : i32
      %dma_start3A_35 = tpu.memref_slice %arg5[%add3A_11, %dma_start3A_34] : memref<10112x64xf32, #tpu.memory_space<vmem_shared>> -> memref<128x64xf32, #tpu.memory_space<vmem_shared>>
      tpu.enqueue_dma source(%arg11 : memref<128x64xf32, #tpu.memory_space<vmem>>) target(%dma_start3A_35 : memref<128x64xf32, #tpu.memory_space<vmem_shared>>) target_semaphore(%run_scoped3A : memref<!tpu.dma_semaphore, #tpu.memory_space<semaphore_mem>>)
      %dma_wait3A_36 = arith.constant 0 : i32
      %dma_wait3A_37 = tpu.memref_slice %arg5[%add3A_11, %dma_wait3A_36] : memref<10112x64xf32, #tpu.memory_space<vmem_shared>> -> memref<128x64xf32, #tpu.memory_space<vmem_shared>>
      %dma_wait3A_38 = arith.constant 0 : i32
      %dma_wait3A_39 = tpu.memref_slice %arg5[%add3A_11, %dma_wait3A_38] : memref<10112x64xf32, #tpu.memory_space<vmem_shared>> -> memref<128x64xf32, #tpu.memory_space<vmem_shared>>
      tpu.wait_dma2 semaphore(%run_scoped3A : memref<!tpu.dma_semaphore, #tpu.memory_space<semaphore_mem>>) src(%arg11 : memref<128x64xf32, #tpu.memory_space<vmem>>) dst(%dma_wait3A_39 : memref<128x64xf32, #tpu.memory_space<vmem_shared>>)
      tpu.yield
    }) : () -> ()
    %add3A_12 = arith.constant 512 : i32
    %add3A_13 = arith.addi %mul3A_4, %add3A_12 : i32
    "tpu.region"() ({
      %run_scoped3A = tpu.sem_alloc : memref<!tpu.dma_semaphore, #tpu.memory_space<semaphore_mem>>
      %dma_start3A = arith.constant 0 : i32
      %dma_start3A_33 = arith.constant 0 : i32
      %dma_start3A_34 = tpu.memref_slice %arg11[%dma_start3A, %dma_start3A_33] : memref<128x64xf32, #tpu.memory_space<vmem>> -> memref<120x64xf32, #tpu.memory_space<vmem>>
      %dma_start3A_35 = arith.constant 0 : i32
      %dma_start3A_36 = tpu.memref_slice %arg5[%add3A_13, %dma_start3A_35] : memref<10112x64xf32, #tpu.memory_space<vmem_shared>> -> memref<120x64xf32, #tpu.memory_space<vmem_shared>>
      %dma_start3A_37 = arith.constant 0 : i32
      %dma_start3A_38 = tpu.memref_slice %arg5[%add3A_13, %dma_start3A_37] : memref<10112x64xf32, #tpu.memory_space<vmem_shared>> -> memref<120x64xf32, #tpu.memory_space<vmem_shared>>
      %dma_start3A_39 = arith.constant 0 : i32
      %dma_start3A_40 = arith.constant 0 : i32
      %dma_start3A_41 = tpu.memref_slice %arg11[%dma_start3A_39, %dma_start3A_40] : memref<128x64xf32, #tpu.memory_space<vmem>> -> memref<120x64xf32, #tpu.memory_space<vmem>>
      tpu.enqueue_dma source(%dma_start3A_41 : memref<120x64xf32, #tpu.memory_space<vmem>>) target(%dma_start3A_38 : memref<120x64xf32, #tpu.memory_space<vmem_shared>>) target_semaphore(%run_scoped3A : memref<!tpu.dma_semaphore, #tpu.memory_space<semaphore_mem>>)
      %dma_wait3A_42 = arith.constant 0 : i32
      %dma_wait3A_43 = arith.constant 0 : i32
      %dma_wait3A_44 = tpu.memref_slice %arg11[%dma_wait3A_42, %dma_wait3A_43] : memref<128x64xf32, #tpu.memory_space<vmem>> -> memref<120x64xf32, #tpu.memory_space<vmem>>
      %dma_wait3A_45 = arith.constant 0 : i32
      %dma_wait3A_46 = tpu.memref_slice %arg5[%add3A_13, %dma_wait3A_45] : memref<10112x64xf32, #tpu.memory_space<vmem_shared>> -> memref<120x64xf32, #tpu.memory_space<vmem_shared>>
      %dma_wait3A_47 = arith.constant 0 : i32
      %dma_wait3A_48 = tpu.memref_slice %arg5[%add3A_13, %dma_wait3A_47] : memref<10112x64xf32, #tpu.memory_space<vmem_shared>> -> memref<120x64xf32, #tpu.memory_space<vmem_shared>>
      %dma_wait3A_49 = arith.constant 0 : i32
      %dma_wait3A_50 = arith.constant 0 : i32
      %dma_wait3A_51 = tpu.memref_slice %arg11[%dma_wait3A_49, %dma_wait3A_50] : memref<128x64xf32, #tpu.memory_space<vmem>> -> memref<120x64xf32, #tpu.memory_space<vmem>>
      tpu.wait_dma2 semaphore(%run_scoped3A : memref<!tpu.dma_semaphore, #tpu.memory_space<semaphore_mem>>) src(%dma_wait3A_51 : memref<120x64xf32, #tpu.memory_space<vmem>>) dst(%dma_wait3A_48 : memref<120x64xf32, #tpu.memory_space<vmem_shared>>)
      tpu.yield
    }) : () -> ()
    %barrier3A = arith.constant 0 : index
    tpu.barrier barrier_id(%barrier3A)
    %mul3A_14 = arith.constant 640 : i32
    %mul3A_15 = arith.muli %arg0, %mul3A_14 : i32
    %mul3A_16 = arith.constant 40 : i32
    %mul3A_17 = arith.muli %arg1, %mul3A_16 : i32
    %add3A_18 = arith.addi %mul3A_15, %mul3A_17 : i32
    "tpu.region"() ({
      %run_scoped3A = tpu.sem_alloc : memref<!tpu.dma_semaphore, #tpu.memory_space<semaphore_mem>>
      %dma_start3A = arith.constant 0 : i32
      %dma_start3A_33 = tpu.memref_slice %arg2[%add3A_18, %dma_start3A] : memref<1280x128xi32, #tpu.memory_space<hbm>> -> memref<40x128xi32, #tpu.memory_space<hbm>>
      %dma_start3A_34 = arith.constant 0 : i32
      %dma_start3A_35 = tpu.memref_slice %arg2[%add3A_18, %dma_start3A_34] : memref<1280x128xi32, #tpu.memory_space<hbm>> -> memref<40x128xi32, #tpu.memory_space<hbm>>
      tpu.enqueue_dma source(%dma_start3A_35 : memref<40x128xi32, #tpu.memory_space<hbm>>) target(%arg6 : memref<40x128xi32, #tpu.memory_space<vmem>>) target_semaphore(%run_scoped3A : memref<!tpu.dma_semaphore, #tpu.memory_space<semaphore_mem>>)
      %dma_wait3A_36 = arith.constant 0 : i32
      %dma_wait3A_37 = tpu.memref_slice %arg2[%add3A_18, %dma_wait3A_36] : memref<1280x128xi32, #tpu.memory_space<hbm>> -> memref<40x128xi32, #tpu.memory_space<hbm>>
      %dma_wait3A_38 = arith.constant 0 : i32
      %dma_wait3A_39 = tpu.memref_slice %arg2[%add3A_18, %dma_wait3A_38] : memref<1280x128xi32, #tpu.memory_space<hbm>> -> memref<40x128xi32, #tpu.memory_space<hbm>>
      tpu.wait_dma2 semaphore(%run_scoped3A : memref<!tpu.dma_semaphore, #tpu.memory_space<semaphore_mem>>) src(%dma_wait3A_39 : memref<40x128xi32, #tpu.memory_space<hbm>>) dst(%arg6 : memref<40x128xi32, #tpu.memory_space<vmem>>)
      tpu.yield
    }) : () -> ()
    "tpu.region"() ({
      %run_scoped3A = tpu.sem_alloc : memref<!tpu.dma_semaphore, #tpu.memory_space<semaphore_mem>>
      %dma_start3A = arith.constant 0 : i32
      %dma_start3A_33 = tpu.memref_slice %arg3[%add3A_18, %dma_start3A] : memref<1280x128xi32, #tpu.memory_space<hbm>> -> memref<40x128xi32, #tpu.memory_space<hbm>>
      %dma_start3A_34 = arith.constant 0 : i32
      %dma_start3A_35 = tpu.memref_slice %arg3[%add3A_18, %dma_start3A_34] : memref<1280x128xi32, #tpu.memory_space<hbm>> -> memref<40x128xi32, #tpu.memory_space<hbm>>
      tpu.enqueue_dma source(%dma_start3A_35 : memref<40x128xi32, #tpu.memory_space<hbm>>) target(%arg7 : memref<40x128xi32, #tpu.memory_space<vmem>>) target_semaphore(%run_scoped3A : memref<!tpu.dma_semaphore, #tpu.memory_space<semaphore_mem>>)
      %dma_wait3A_36 = arith.constant 0 : i32
      %dma_wait3A_37 = tpu.memref_slice %arg3[%add3A_18, %dma_wait3A_36] : memref<1280x128xi32, #tpu.memory_space<hbm>> -> memref<40x128xi32, #tpu.memory_space<hbm>>
      %dma_wait3A_38 = arith.constant 0 : i32
      %dma_wait3A_39 = tpu.memref_slice %arg3[%add3A_18, %dma_wait3A_38] : memref<1280x128xi32, #tpu.memory_space<hbm>> -> memref<40x128xi32, #tpu.memory_space<hbm>>
      tpu.wait_dma2 semaphore(%run_scoped3A : memref<!tpu.dma_semaphore, #tpu.memory_space<semaphore_mem>>) src(%dma_wait3A_39 : memref<40x128xi32, #tpu.memory_space<hbm>>) dst(%arg7 : memref<40x128xi32, #tpu.memory_space<vmem>>)
      tpu.yield
    }) : () -> ()
    %iota3A = tpu.iota {dimensions = array<i32: 0>} : vector<16xi32>
    %add3A_19 = arith.constant 10000 : i32
    %add3A_20 = vector.broadcast %add3A_19 : i32 to vector<16xi32>
    %add3A_21 = arith.addi %add3A_20, %iota3A : vector<16xi32>
    %scan3A_22 = arith.constant 0 : i32
    %scan3A_23 = arith.constant 20 : i32
    %scan3A_24 = arith.addi %scan3A_22, %scan3A_23 : i32
    %scan3A_25 = arith.constant 1 : i32
    scf.for %scan3A_33 = %scan3A_22 to %scan3A_24 step %scan3A_25  : i32 {
      %mul3A_34 = arith.constant 2 : i32
      %mul3A_35 = arith.muli %scan3A_33, %mul3A_34 : i32
      %add3A_36 = arith.constant 0 : i32
      %add3A_37 = arith.addi %add3A_36, %mul3A_35 : i32
      %add3A_38 = arith.constant 0 : i32
      %add3A_39 = arith.addi %add3A_37, %add3A_38 : i32
      %gt3A = arith.constant 0 : i32
      %gt3A_40 = arith.cmpi sgt, %add3A_37, %gt3A : i32
      %convert_element_type3A = arith.extui %gt3A_40 : i1 to i32
      %cond3A = arith.constant 0 : i32
      %cond3A_41 = arith.cmpi ne, %convert_element_type3A, %cond3A : i32
      scf.if %cond3A_41 {
        %dma_wait3A_64 = arith.constant 0 : i32
        %dma_wait3A_65 = arith.constant 0 : i32
        %dma_wait3A_66 = tpu.memref_slice %arg5[%dma_wait3A_64, %dma_wait3A_65] : memref<10112x64xf32, #tpu.memory_space<vmem_shared>> -> memref<10112x64xf32, #tpu.memory_space<vmem_shared>>
        tpu.wait_indirect_dma semaphore(%arg12 : memref<!tpu.dma_semaphore, #tpu.memory_space<semaphore_mem>>) src(%arg10 : memref<128x64xf32, #tpu.memory_space<vmem>>) dst(%dma_wait3A_66 : memref<10112x64xf32, #tpu.memory_space<vmem_shared>>)
      } else {
      }
      %scan3A_42 = arith.constant 0 : i32
      %scan3A_43 = arith.constant 8 : i32
      %scan3A_44 = arith.addi %scan3A_42, %scan3A_43 : i32
      %scan3A_45 = arith.constant 1 : i32
      scf.for %scan3A_64 = %scan3A_42 to %scan3A_44 step %scan3A_45  : i32 {
        %mul3A_65 = arith.constant 16 : i32
        %mul3A_66 = arith.muli %scan3A_64, %mul3A_65 : i32
        %add3A_67 = arith.constant 0 : i32
        %add3A_68 = arith.addi %add3A_67, %mul3A_66 : i32
        %get3A = arith.index_cast %add3A_39 : i32 to index
        %get3A_69 = arith.index_cast %add3A_68 : i32 to index
        %get3A_70 = tpu.vector_load %arg7[%get3A, %get3A_69] {strides = array<i32>} : memref<40x128xi32, #tpu.memory_space<vmem>>, vector<1x16xi32>,
        %get3A_71 = vector.shape_cast %get3A_70 : vector<1x16xi32> to vector<16xi32>
        %get3A_72 = arith.index_cast %add3A_39 : i32 to index
        %get3A_73 = arith.index_cast %add3A_68 : i32 to index
        %get3A_74 = tpu.vector_load %arg6[%get3A_72, %get3A_73] {strides = array<i32>} : memref<40x128xi32, #tpu.memory_space<vmem>>, vector<1x16xi32>,
        %get3A_75 = vector.shape_cast %get3A_74 : vector<1x16xi32> to vector<16xi32>
        %eq3A = arith.cmpi eq, %get3A_71, %get3A_75 : vector<16xi32>
        %select_n3A = arith.select %eq3A, %add3A_21, %get3A_71 : vector<16xi1>, vector<16xi32>
        %swap3A = arith.index_cast %add3A_68 : i32 to index
        %swap3A_76 = tpu.vector_load %arg8[%swap3A] {strides = array<i32>} : memref<128xi32, #tpu.memory_space<vmem>>, vector<16xi32>,
        %swap3A_77 = vector.shape_cast %swap3A_76 : vector<16xi32> to vector<16xi32>
        %swap3A_78 = vector.shape_cast %select_n3A : vector<16xi32> to vector<16xi32>
        tpu.vector_store %arg8[%swap3A], %swap3A_78 {strides = array<i32>} : memref<128xi32, #tpu.memory_space<vmem>>, vector<16xi32>,
      }
      %scan3A_46 = arith.constant 8 : i32
      %dma_start3A = arith.constant 0 : i32
      %dma_start3A_47 = arith.constant 0 : i32
      %dma_start3A_48 = tpu.memref_slice %arg5[%dma_start3A, %dma_start3A_47] : memref<10112x64xf32, #tpu.memory_space<vmem_shared>> -> memref<10112x64xf32, #tpu.memory_space<vmem_shared>>
      tpu.enqueue_indirect_dma source(%arg10 : memref<128x64xf32, #tpu.memory_space<vmem>>) target(%dma_start3A_48 : memref<10112x64xf32, #tpu.memory_space<vmem_shared>>) offsets(%arg8 : memref<128xi32, #tpu.memory_space<vmem>>) semaphore(%arg12 : memref<!tpu.dma_semaphore, #tpu.memory_space<semaphore_mem>>) {add = true}
      %add3A_49 = arith.constant 1 : i32
      %add3A_50 = arith.addi %add3A_37, %add3A_49 : i32
      %gt3A_51 = arith.constant 0 : i32
      %gt3A_52 = arith.cmpi sgt, %add3A_37, %gt3A_51 : i32
      %convert_element_type3A_53 = arith.extui %gt3A_52 : i1 to i32
      %cond3A_54 = arith.constant 0 : i32
      %cond3A_55 = arith.cmpi ne, %convert_element_type3A_53, %cond3A_54 : i32
      scf.if %cond3A_55 {
        %dma_wait3A_64 = arith.constant 0 : i32
        %dma_wait3A_65 = arith.constant 0 : i32
        %dma_wait3A_66 = tpu.memref_slice %arg5[%dma_wait3A_64, %dma_wait3A_65] : memref<10112x64xf32, #tpu.memory_space<vmem_shared>> -> memref<10112x64xf32, #tpu.memory_space<vmem_shared>>
        tpu.wait_indirect_dma semaphore(%arg13 : memref<!tpu.dma_semaphore, #tpu.memory_space<semaphore_mem>>) src(%arg10 : memref<128x64xf32, #tpu.memory_space<vmem>>) dst(%dma_wait3A_66 : memref<10112x64xf32, #tpu.memory_space<vmem_shared>>)
      } else {
      }
      %scan3A_56 = arith.constant 0 : i32
      %scan3A_57 = arith.constant 8 : i32
      %scan3A_58 = arith.addi %scan3A_56, %scan3A_57 : i32
      %scan3A_59 = arith.constant 1 : i32
      scf.for %scan3A_64 = %scan3A_56 to %scan3A_58 step %scan3A_59  : i32 {
        %mul3A_65 = arith.constant 16 : i32
        %mul3A_66 = arith.muli %scan3A_64, %mul3A_65 : i32
        %add3A_67 = arith.constant 0 : i32
        %add3A_68 = arith.addi %add3A_67, %mul3A_66 : i32
        %get3A = arith.index_cast %add3A_50 : i32 to index
        %get3A_69 = arith.index_cast %add3A_68 : i32 to index
        %get3A_70 = tpu.vector_load %arg7[%get3A, %get3A_69] {strides = array<i32>} : memref<40x128xi32, #tpu.memory_space<vmem>>, vector<1x16xi32>,
        %get3A_71 = vector.shape_cast %get3A_70 : vector<1x16xi32> to vector<16xi32>
        %get3A_72 = arith.index_cast %add3A_50 : i32 to index
        %get3A_73 = arith.index_cast %add3A_68 : i32 to index
        %get3A_74 = tpu.vector_load %arg6[%get3A_72, %get3A_73] {strides = array<i32>} : memref<40x128xi32, #tpu.memory_space<vmem>>, vector<1x16xi32>,
        %get3A_75 = vector.shape_cast %get3A_74 : vector<1x16xi32> to vector<16xi32>
        %eq3A = arith.cmpi eq, %get3A_71, %get3A_75 : vector<16xi32>
        %select_n3A = arith.select %eq3A, %add3A_21, %get3A_71 : vector<16xi1>, vector<16xi32>
        %swap3A = arith.index_cast %add3A_68 : i32 to index
        %swap3A_76 = tpu.vector_load %arg9[%swap3A] {strides = array<i32>} : memref<128xi32, #tpu.memory_space<vmem>>, vector<16xi32>,
        %swap3A_77 = vector.shape_cast %swap3A_76 : vector<16xi32> to vector<16xi32>
        %swap3A_78 = vector.shape_cast %select_n3A : vector<16xi32> to vector<16xi32>
        tpu.vector_store %arg9[%swap3A], %swap3A_78 {strides = array<i32>} : memref<128xi32, #tpu.memory_space<vmem>>, vector<16xi32>,
      }
      %scan3A_60 = arith.constant 8 : i32
      %dma_start3A_61 = arith.constant 0 : i32
      %dma_start3A_62 = arith.constant 0 : i32
      %dma_start3A_63 = tpu.memref_slice %arg5[%dma_start3A_61, %dma_start3A_62] : memref<10112x64xf32, #tpu.memory_space<vmem_shared>> -> memref<10112x64xf32, #tpu.memory_space<vmem_shared>>
      tpu.enqueue_indirect_dma source(%arg10 : memref<128x64xf32, #tpu.memory_space<vmem>>) target(%dma_start3A_63 : memref<10112x64xf32, #tpu.memory_space<vmem_shared>>) offsets(%arg9 : memref<128xi32, #tpu.memory_space<vmem>>) semaphore(%arg13 : memref<!tpu.dma_semaphore, #tpu.memory_space<semaphore_mem>>) {add = true}
    }
    %scan3A_26 = arith.constant 20 : i32
    %dma_wait3A = arith.constant 0 : i32
    %dma_wait3A_27 = arith.constant 0 : i32
    %dma_wait3A_28 = tpu.memref_slice %arg5[%dma_wait3A, %dma_wait3A_27] : memref<10112x64xf32, #tpu.memory_space<vmem_shared>> -> memref<10112x64xf32, #tpu.memory_space<vmem_shared>>
    tpu.wait_indirect_dma semaphore(%arg12 : memref<!tpu.dma_semaphore, #tpu.memory_space<semaphore_mem>>) src(%arg10 : memref<128x64xf32, #tpu.memory_space<vmem>>) dst(%dma_wait3A_28 : memref<10112x64xf32, #tpu.memory_space<vmem_shared>>)
    %dma_wait3A_29 = arith.constant 0 : i32
    %dma_wait3A_30 = arith.constant 0 : i32
    %dma_wait3A_31 = tpu.memref_slice %arg5[%dma_wait3A_29, %dma_wait3A_30] : memref<10112x64xf32, #tpu.memory_space<vmem_shared>> -> memref<10112x64xf32, #tpu.memory_space<vmem_shared>>
    tpu.wait_indirect_dma semaphore(%arg13 : memref<!tpu.dma_semaphore, #tpu.memory_space<semaphore_mem>>) src(%arg10 : memref<128x64xf32, #tpu.memory_space<vmem>>) dst(%dma_wait3A_31 : memref<10112x64xf32, #tpu.memory_space<vmem_shared>>)
    %barrier3A_32 = arith.constant 0 : index
    tpu.barrier barrier_id(%barrier3A_32)
    "tpu.region"() ({
      %run_scoped3A = tpu.sem_alloc : memref<!tpu.dma_semaphore, #tpu.memory_space<semaphore_mem>>
      %dma_start3A = arith.constant 0 : i32
      %dma_start3A_33 = tpu.memref_slice %arg4[%arg0, %mul3A_4, %dma_start3A] : memref<2x10112x64xf32, #tpu.memory_space<hbm>> -> memref<1x632x64xf32, #tpu.memory_space<hbm>>
      %dma_start3A_34 = tpu.memref_squeeze %dma_start3A_33 : memref<1x632x64xf32, #tpu.memory_space<hbm>> -> memref<632x64xf32, #tpu.memory_space<hbm>>
      %dma_start3A_35 = arith.constant 0 : i32
      %dma_start3A_36 = tpu.memref_slice %arg5[%mul3A_4, %dma_start3A_35] : memref<10112x64xf32, #tpu.memory_space<vmem_shared>> -> memref<632x64xf32, #tpu.memory_space<vmem_shared>>
      tpu.enqueue_dma source(%dma_start3A_36 : memref<632x64xf32, #tpu.memory_space<vmem_shared>>) target(%dma_start3A_34 : memref<632x64xf32, #tpu.memory_space<hbm>>) target_semaphore(%run_scoped3A : memref<!tpu.dma_semaphore, #tpu.memory_space<semaphore_mem>>)
      %dma_wait3A_37 = arith.constant 0 : i32
      %dma_wait3A_38 = tpu.memref_slice %arg4[%arg0, %mul3A_4, %dma_wait3A_37] : memref<2x10112x64xf32, #tpu.memory_space<hbm>> -> memref<1x632x64xf32, #tpu.memory_space<hbm>>
      %dma_wait3A_39 = tpu.memref_squeeze %dma_wait3A_38 : memref<1x632x64xf32, #tpu.memory_space<hbm>> -> memref<632x64xf32, #tpu.memory_space<hbm>>
      %dma_wait3A_40 = arith.constant 0 : i32
      %dma_wait3A_41 = tpu.memref_slice %arg5[%mul3A_4, %dma_wait3A_40] : memref<10112x64xf32, #tpu.memory_space<vmem_shared>> -> memref<632x64xf32, #tpu.memory_space<vmem_shared>>
      tpu.wait_dma2 semaphore(%run_scoped3A : memref<!tpu.dma_semaphore, #tpu.memory_space<semaphore_mem>>) src(%dma_wait3A_41 : memref<632x64xf32, #tpu.memory_space<vmem_shared>>) dst(%dma_wait3A_39 : memref<632x64xf32, #tpu.memory_space<hbm>>)
      tpu.yield
    }) : () -> ()
    return
  }
}

module attributes {stable_mosaic.version = 14 : i64} {
  func.func @_t1_body(%arg0: i32, %arg1: memref<1x400x64xf32, #tpu.memory_space<vmem>>, %arg2: memref<1x400x64xf32, #tpu.memory_space<vmem>>, %arg3: memref<400x256xf32, #tpu.memory_space<vmem>>, %arg4: memref<2x400x128xf32, #tpu.memory_space<vmem>>, %arg5: memref<400x128xf32, #tpu.memory_space<vmem>>) attributes {dimension_semantics = [#tpu.dimension_semantics<arbitrary>], iteration_bounds = array<i64: 25>, scalar_prefetch = 0 : i64, scratch_operands = 0 : i64, tpu.core_type = #tpu.core_type<tc>, window_params = [{transform_indices = @transform_0, window_bounds = array<i64: 1, 400, 64>}, {transform_indices = @transform_1, window_bounds = array<i64: 1, 400, 64>}, {transform_indices = @transform_2, window_bounds = array<i64: 400, 256>}, {transform_indices = @transform_3, window_bounds = array<i64: 2, 400, 128>}, {transform_indices = @transform_4, window_bounds = array<i64: 400, 128>}]} {
    %get3A = arith.constant 0 : index
    %get3A_0 = arith.constant 0 : index
    %get3A_1 = arith.constant 0 : index
    %get3A_2 = vector.load %arg1[%get3A, %get3A_0, %get3A_1] : memref<1x400x64xf32, #tpu.memory_space<vmem>>, vector<1x400x64xf32>
    %squeeze3A = vector.shape_cast %get3A_2 : vector<1x400x64xf32> to vector<400x64xf32>
    %slice3A = vector.extract_strided_slice %squeeze3A {offsets = [0, 0], sizes = [400, 1], strides = [1, 1]} : vector<400x64xf32> to vector<400x1xf32>
    %get3A_3 = arith.constant 0 : index
    %get3A_4 = arith.constant 0 : index
    %get3A_5 = arith.constant 0 : index
    %get3A_6 = vector.load %arg2[%get3A_3, %get3A_4, %get3A_5] : memref<1x400x64xf32, #tpu.memory_space<vmem>>, vector<1x400x64xf32>
    %squeeze3A_7 = vector.shape_cast %get3A_6 : vector<1x400x64xf32> to vector<400x64xf32>
    %slice3A_8 = vector.extract_strided_slice %squeeze3A_7 {offsets = [0, 0], sizes = [400, 1], strides = [1, 1]} : vector<400x64xf32> to vector<400x1xf32>
    %add3A = arith.addf %slice3A, %slice3A_8 : vector<400x1xf32>
    %add3A_9 = arith.constant 1.000000e+00 : f32
    %add3A_10 = vector.broadcast %add3A_9 : f32 to vector<400x1xf32>
    %add3A_11 = arith.addf %add3A, %add3A_10 : vector<400x1xf32>
    %rsqrt3A = math.rsqrt %add3A_11 : vector<400x1xf32>
    %broadcast_in_dim3A = arith.constant 1.000000e+00 : f32
    %broadcast_in_dim3A_12 = vector.broadcast %broadcast_in_dim3A : f32 to vector<1x128xf32>
    %mul3A = vector.broadcast %rsqrt3A : vector<400x1xf32> to vector<400x128xf32>
    %mul3A_13 = vector.broadcast %broadcast_in_dim3A_12 : vector<1x128xf32> to vector<400x128xf32>
    %mul3A_14 = arith.mulf %mul3A, %mul3A_13 : vector<400x128xf32>
    %get3A_15 = arith.constant 0 : index
    %get3A_16 = arith.constant 0 : index
    %get3A_17 = vector.load %arg3[%get3A_15, %get3A_16] : memref<400x256xf32, #tpu.memory_space<vmem>>, vector<400x256xf32>
    %slice3A_18 = vector.extract_strided_slice %get3A_17 {offsets = [0, 0], sizes = [400, 128], strides = [1, 1]} : vector<400x256xf32> to vector<400x128xf32>
    %mul3A_19 = arith.mulf %mul3A_14, %slice3A_18 : vector<400x128xf32>
    %swap3A = arith.constant 0 : index
    %swap3A_20 = arith.constant 0 : index
    %swap3A_21 = arith.constant 0 : index
    %swap3A_22 = vector.load %arg4[%swap3A, %swap3A_20, %swap3A_21] : memref<2x400x128xf32, #tpu.memory_space<vmem>>, vector<1x400x128xf32>
    %swap3A_23 = vector.shape_cast %swap3A_22 : vector<1x400x128xf32> to vector<400x128xf32>
    %swap3A_24 = vector.shape_cast %mul3A_19 : vector<400x128xf32> to vector<1x400x128xf32>
    tpu.vector_store %arg4[%swap3A, %swap3A_20, %swap3A_21], %swap3A_24 {strides = array<i32>} : memref<2x400x128xf32, #tpu.memory_space<vmem>>, vector<1x400x128xf32>,
    %get3A_25 = arith.constant 0 : index
    %get3A_26 = arith.constant 0 : index
    %get3A_27 = vector.load %arg3[%get3A_25, %get3A_26] : memref<400x256xf32, #tpu.memory_space<vmem>>, vector<400x256xf32>
    %slice3A_28 = vector.extract_strided_slice %get3A_27 {offsets = [0, 128], sizes = [400, 128], strides = [1, 1]} : vector<400x256xf32> to vector<400x128xf32>
    %mul3A_29 = arith.mulf %mul3A_14, %slice3A_28 : vector<400x128xf32>
    %swap3A_30 = arith.constant 1 : index
    %swap3A_31 = arith.constant 0 : index
    %swap3A_32 = arith.constant 0 : index
    %swap3A_33 = vector.load %arg4[%swap3A_30, %swap3A_31, %swap3A_32] : memref<2x400x128xf32, #tpu.memory_space<vmem>>, vector<1x400x128xf32>
    %swap3A_34 = vector.shape_cast %swap3A_33 : vector<1x400x128xf32> to vector<400x128xf32>
    %swap3A_35 = vector.shape_cast %mul3A_29 : vector<400x128xf32> to vector<1x400x128xf32>
    tpu.vector_store %arg4[%swap3A_30, %swap3A_31, %swap3A_32], %swap3A_35 {strides = array<i32>} : memref<2x400x128xf32, #tpu.memory_space<vmem>>, vector<1x400x128xf32>,
    %swap3A_36 = arith.constant 0 : index
    %swap3A_37 = arith.constant 0 : index
    %swap3A_38 = vector.load %arg5[%swap3A_36, %swap3A_37] : memref<400x128xf32, #tpu.memory_space<vmem>>, vector<400x128xf32>
    tpu.vector_store %arg5[%swap3A_36, %swap3A_37], %mul3A_14 {strides = array<i32>} : memref<400x128xf32, #tpu.memory_space<vmem>>, vector<400x128xf32>,
    return
  }
  func.func @transform_0(%arg0: i32) -> (i32, i32, i32) {
    %c0_i32 = arith.constant 0 : i32
    %c0_i32_0 = arith.constant 0 : i32
    %c0_i32_1 = arith.constant 0 : i32
    return %c0_i32, %arg0, %c0_i32_0 : i32, i32, i32
  }
  func.func @transform_1(%arg0: i32) -> (i32, i32, i32) {
    %c1_i32 = arith.constant 1 : i32
    %c0_i32 = arith.constant 0 : i32
    %c0_i32_0 = arith.constant 0 : i32
    return %c1_i32, %arg0, %c0_i32 : i32, i32, i32
  }
  func.func @transform_2(%arg0: i32) -> (i32, i32) {
    %c0_i32 = arith.constant 0 : i32
    %c0_i32_0 = arith.constant 0 : i32
    return %arg0, %c0_i32 : i32, i32
  }
  func.func @transform_3(%arg0: i32) -> (i32, i32, i32) {
    %c0_i32 = arith.constant 0 : i32
    %c0_i32_0 = arith.constant 0 : i32
    %c0_i32_1 = arith.constant 0 : i32
    return %c0_i32, %arg0, %c0_i32_0 : i32, i32, i32
  }
  func.func @transform_4(%arg0: i32) -> (i32, i32) {
    %c0_i32 = arith.constant 0 : i32
    %c0_i32_0 = arith.constant 0 : i32
    return %arg0, %c0_i32 : i32, i32
  }
}

module attributes {stable_mosaic.version = 14 : i64} {
  func.func @_t2_write(%arg0: i32, %arg1: memref<400x128xf32, #tpu.memory_space<vmem>>, %arg2: memref<2x400x128xf32, #tpu.memory_space<vmem>>, %arg3: memref<2x400x128xf32, #tpu.memory_space<vmem>>, %arg4: memref<400x256xf32, #tpu.memory_space<vmem>>) attributes {dimension_semantics = [#tpu.dimension_semantics<arbitrary>], iteration_bounds = array<i64: 25>, scalar_prefetch = 0 : i64, scratch_operands = 0 : i64, tpu.core_type = #tpu.core_type<tc>, window_params = [{transform_indices = @transform_0, window_bounds = array<i64: 400, 128>}, {transform_indices = @transform_1, window_bounds = array<i64: 2, 400, 128>}, {transform_indices = @transform_2, window_bounds = array<i64: 2, 400, 128>}, {transform_indices = @transform_3, window_bounds = array<i64: 400, 256>}]} {
    %get3A = arith.constant 0 : index
    %get3A_0 = arith.constant 0 : index
    %get3A_1 = vector.load %arg1[%get3A, %get3A_0] : memref<400x128xf32, #tpu.memory_space<vmem>>, vector<400x128xf32>
    %get3A_2 = arith.constant 0 : index
    %get3A_3 = arith.constant 0 : index
    %get3A_4 = arith.constant 0 : index
    %get3A_5 = vector.load %arg2[%get3A_2, %get3A_3, %get3A_4] : memref<2x400x128xf32, #tpu.memory_space<vmem>>, vector<2x400x128xf32>
    %slice3A = vector.extract_strided_slice %get3A_5 {offsets = [0, 0, 0], sizes = [1, 400, 128], strides = [1, 1, 1]} : vector<2x400x128xf32> to vector<1x400x128xf32>
    %squeeze3A = vector.shape_cast %slice3A : vector<1x400x128xf32> to vector<400x128xf32>
    %get3A_6 = arith.constant 0 : index
    %get3A_7 = arith.constant 0 : index
    %get3A_8 = arith.constant 0 : index
    %get3A_9 = vector.load %arg3[%get3A_6, %get3A_7, %get3A_8] : memref<2x400x128xf32, #tpu.memory_space<vmem>>, vector<2x400x128xf32>
    %slice3A_10 = vector.extract_strided_slice %get3A_9 {offsets = [0, 0, 0], sizes = [1, 400, 128], strides = [1, 1, 1]} : vector<2x400x128xf32> to vector<1x400x128xf32>
    %squeeze3A_11 = vector.shape_cast %slice3A_10 : vector<1x400x128xf32> to vector<400x128xf32>
    %add3A = arith.addf %squeeze3A, %squeeze3A_11 : vector<400x128xf32>
    %mul3A = arith.mulf %get3A_1, %add3A : vector<400x128xf32>
    %get3A_12 = arith.constant 0 : index
    %get3A_13 = arith.constant 0 : index
    %get3A_14 = arith.constant 0 : index
    %get3A_15 = vector.load %arg2[%get3A_12, %get3A_13, %get3A_14] : memref<2x400x128xf32, #tpu.memory_space<vmem>>, vector<2x400x128xf32>
    %slice3A_16 = vector.extract_strided_slice %get3A_15 {offsets = [1, 0, 0], sizes = [1, 400, 128], strides = [1, 1, 1]} : vector<2x400x128xf32> to vector<1x400x128xf32>
    %squeeze3A_17 = vector.shape_cast %slice3A_16 : vector<1x400x128xf32> to vector<400x128xf32>
    %get3A_18 = arith.constant 0 : index
    %get3A_19 = arith.constant 0 : index
    %get3A_20 = arith.constant 0 : index
    %get3A_21 = vector.load %arg3[%get3A_18, %get3A_19, %get3A_20] : memref<2x400x128xf32, #tpu.memory_space<vmem>>, vector<2x400x128xf32>
    %slice3A_22 = vector.extract_strided_slice %get3A_21 {offsets = [1, 0, 0], sizes = [1, 400, 128], strides = [1, 1, 1]} : vector<2x400x128xf32> to vector<1x400x128xf32>
    %squeeze3A_23 = vector.shape_cast %slice3A_22 : vector<1x400x128xf32> to vector<400x128xf32>
    %add3A_24 = arith.addf %squeeze3A_17, %squeeze3A_23 : vector<400x128xf32>
    %mul3A_25 = arith.mulf %get3A_1, %add3A_24 : vector<400x128xf32>
    %concatenate3A = tpu.concatenate %mul3A, %mul3A_25 in 1 : vector<400x128xf32>, vector<400x128xf32> -> vector<400x256xf32>
    %swap3A = arith.constant 0 : index
    %swap3A_26 = arith.constant 0 : index
    %swap3A_27 = vector.load %arg4[%swap3A, %swap3A_26] : memref<400x256xf32, #tpu.memory_space<vmem>>, vector<400x256xf32>
    tpu.vector_store %arg4[%swap3A, %swap3A_26], %concatenate3A {strides = array<i32>} : memref<400x256xf32, #tpu.memory_space<vmem>>, vector<400x256xf32>,
    return
  }
  func.func @transform_0(%arg0: i32) -> (i32, i32) {
    %c0_i32 = arith.constant 0 : i32
    %c0_i32_0 = arith.constant 0 : i32
    return %arg0, %c0_i32 : i32, i32
  }
  func.func @transform_1(%arg0: i32) -> (i32, i32, i32) {
    %c0_i32 = arith.constant 0 : i32
    %c0_i32_0 = arith.constant 0 : i32
    %c0_i32_1 = arith.constant 0 : i32
    return %c0_i32, %arg0, %c0_i32_0 : i32, i32, i32
  }
  func.func @transform_2(%arg0: i32) -> (i32, i32, i32) {
    %c0_i32 = arith.constant 0 : i32
    %c0_i32_0 = arith.constant 0 : i32
    %c0_i32_1 = arith.constant 0 : i32
    return %c0_i32, %arg0, %c0_i32_0 : i32, i32, i32
  }
  func.func @transform_3(%arg0: i32) -> (i32, i32) {
    %c0_i32 = arith.constant 0 : i32
    %c0_i32_0 = arith.constant 0 : i32
    return %arg0, %c0_i32 : i32, i32
  }
}

</mosaic_0001>

<sc_bundles>
// kernel: kernel.6.cloned.1.call-start
scs
__scs_entry_jumppad:
0x0: {  	(pc) =	sbr.rel $0x88, $3  }
0x1: {  	(tag) =	ssettag $0x0;
	lr =	simm.s32 $0x1  }
0x2: {  	[smem:$0x3F9F] =	sst lr;
	_ =	strace $0xD0000000  }
0x3: {  	_ = 	snop  }
0x4: {  	_ = 	snop  }
0x5: {  	_ = 	snop  }
0x6: {  	_ = 	snop  }
0x7: {  	_ = 	snop  }
__scs_overlays_trampoline_lowered:
0x8: {  	[smem:$0x3FAE] =	sst s0  }
0x9: {  	[smem:$0x3FAF] =	sst s1  }
0xa: {  	[smem:$0x3FB0] =	sst s2  }
0xb: {  	[smem:$0x3FB1] =	sst s3  }
0xc: {  	[smem:$0x3FB2] =	sst s4  }
0xd: {  	[smem:$0x3FB3] =	sst s5  }
0xe: {  	[smem:$0x3FB4] =	sst s6  }
0xf: {  	[smem:$0x3FB5] =	sst s7  }
0x10: {  	[smem:$0x3FB6] =	sst s8  }
0x11: {  	[smem:$0x3FB7] =	sst s9;
	s0 =	simm.s32 @!p0 $0x0  }
0x12: {  	s1 =	sld [smem:$0x3F9D];
	s0 =	simm.s32 @p0 $0x1  }
0x13: {  	[smem:$0x3FB8] =	sst s0;
	s0 =	simm.s32 @!p1 $0x0  }
0x14: {  	s2 =	sld [smem:$0x3F9C];
	s0 =	simm.s32 @p1 $0x1  }
0x15: {  	[smem:$0x3FB9] =	sst s0;
	s0 =	simm.s32 @!p2 $0x0  }
0x16: {  	s3 =	sld [smem:$0x3FDB];
	s0 =	simm.s32 @p2 $0x1  }
0x17: {  	s4 =	simm.s32 $0x1BF5;
	[smem:$0x3FBB] =	sst s0  }
0x18: {  	s0 =	sld [smem:$0x3F9E];
	_ =	swait.ge [sflag:s4], $0x0  }
0x19: {  	s7 =	sld [smem:$0x3F9F]  }
0x1a: {  	s8 =	sadd.s32 $0xFFFFE003, lr  }
0x1b: {  	s9 =	sadd.s32 $0xFFFFFEF7, lr;
	s5 =	simm.s32 $0xFFFFFFFF;
	p2 =	slt.u32 s8, $0xFFFFF086  }
0x1c: {  	p1 =	slt.u32 s9, $0xF7A;
	s5 =	simm.s32 @!p2 $0x0  }
0x1d: {  	s5 =	simm.s32 @p1 $0x1;
	p0 =	seq.s32 s7, s2  }
0x1e: {  	s7 =	smul.u32 @!p0 $0xF7A, s2;
	p2 =	seq.s32 @!p0 s5, $0x0  }
0x1f: {  	s9 =	smul.u32 $0xF7A, s1;
	s8 =	simm.s32 @!p0 $0x1BF5;
	p2 =	por !p2, p0  }
0x20: {  	[sflag:s8] =	ssyncset.s32 @!p0 $0xFFFFF086;
	s6 =	sadd.s32 @!p0 s3, s7;
	s7 =	simm.s32 @!p0 $0x108  }
0x21: {  	s3 =	sadd.s32 s3, s9;
	s6 =	sadd.s32 @!p0 $0x88, s6;
	s7 =	simm.s32 @p2 $0x1082  }
0x22: {  	[simem:s7], [sflag:s8] =	dma.local @!p0 [hbm:s6], $0xF7A  }
0x23: {  	s9 =	sor.u32 $0xD0000000, s2;
	s6 =	simm.s32 $0x108;
	_ =	swait.ge @!p0 [sflag:s8], $0x0  }
0x24: {  	s3 =	sadd.s32 $0x88, s3;
	s6 =	simm.s32 @!p1 $0x1082;
	[sflag:s4] =	ssyncset.s32 $0xFFFFF086  }
0x25: {  	[simem:s6], [sflag:s4] =	dma.local [hbm:s3], $0xF7A  }
0x26: {  	[smem:$0x3F9F] =	sst s1;
	(tag) =	ssettag s2;
	_ =	strace s9  }
0x27: {  	s1 =	sld [smem:$0x3FAF]  }
0x28: {  	s2 =	sld [smem:$0x3FB0]  }
0x29: {  	s4 =	sld [smem:$0x3FB2]  }
0x2a: {  	p0 =	seq.s32 s5, $0x0;
	s5 =	sld [smem:$0x3FB3]  }
0x2b: {  	s6 =	sld [smem:$0x3FB4]  }
0x2c: {  	s7 =	sld [smem:$0x3FB5]  }
0x2d: {  	s3 =	simm.s32 $0x108;
	s8 =	sld [smem:$0x3FB6]  }
0x2e: {  	s3 =	simm.s32 @!p0 $0x1082;
	s9 =	sld [smem:$0x3FB7]  }
0x2f: {  	lr =	sadd.s32 s0, s3;
	s0 =	sld [smem:$0x3FAE]  }
0x30: {  	s3 =	sld [smem:$0x3FB1]  }
0x31: {  	[smem:$0x3FBA] =	sst s10  }
0x32: {  	s10 =	sld [smem:$0x3FB8];
	_ =	sdelay $0x3  }
0x33: {  	p0 =	seq.s32 s10, $0x1;
	s10 =	sld [smem:$0x3FBA];
	_ =	sdelay $0x3  }
0x34: {  	[smem:$0x3FBA] =	sst s10  }
0x35: {  	s10 =	sld [smem:$0x3FB9];
	_ =	sdelay $0x3  }
0x36: {  	p1 =	seq.s32 s10, $0x1;
	s10 =	sld [smem:$0x3FBA];
	_ =	sdelay $0x3  }
0x37: {  	[smem:$0x3FBA] =	sst s10  }
0x38: {  	s10 =	sld [smem:$0x3FBB]  }
0x39: {  	_ = 	snop;
	(pc) =	sbr.ind lr, $3  }
0x3a: {  	_ = 	snop  }
0x3b: {  	_ = 	snop  }
0x3c: {  	p2 =	seq.s32 s10, $0x1;
	s10 =	sld [smem:$0x3FBA]  }
0x3d: {  	_ =	shalt  }
0x3e: {  	_ =	shalt  }
0x3f: {  	_ =	shalt  }
0x40: {  	_ =	shalt  }
0x41: {  	_ =	shalt  }
0x42: {  	_ =	shalt  }
0x43: {  	_ =	shalt  }
0x44: {  	_ =	shalt  }
0x45: {  	_ =	shalt  }
0x46: {  	_ =	shalt  }
0x47: {  	_ =	shalt  }
0x48: {  	_ =	shalt  }
0x49: {  	_ =	shalt  }
0x4a: {  	_ =	shalt  }
0x4b: {  	_ =	shalt  }
0x4c: {  	_ =	shalt  }
0x4d: {  	_ =	shalt  }
0x4e: {  	_ =	shalt  }
0x4f: {  	_ =	shalt  }
0x50: {  	_ =	shalt  }
0x51: {  	_ =	shalt  }
0x52: {  	_ =	shalt  }
0x53: {  	_ =	shalt  }
0x54: {  	_ =	shalt  }
0x55: {  	_ =	shalt  }
0x56: {  	_ =	shalt  }
0x57: {  	_ =	shalt  }
0x58: {  	_ =	shalt  }
0x59: {  	_ =	shalt  }
0x5a: {  	_ =	shalt  }
0x5b: {  	_ =	shalt  }
0x5c: {  	_ =	shalt  }
0x5d: {  	_ =	shalt  }
0x5e: {  	_ =	shalt  }
0x5f: {  	_ =	shalt  }
0x60: {  	_ =	shalt  }
0x61: {  	_ =	shalt  }
0x62: {  	_ =	shalt  }
0x63: {  	_ =	shalt  }
0x64: {  	_ =	shalt  }
0x65: {  	_ =	shalt  }
0x66: {  	_ =	shalt  }
0x67: {  	_ =	shalt  }
0x68: {  	_ =	shalt  }
0x69: {  	_ =	shalt  }
0x6a: {  	_ =	shalt  }
0x6b: {  	_ =	shalt  }
0x6c: {  	_ =	shalt  }
0x6d: {  	_ =	shalt  }
0x6e: {  	_ =	shalt  }
0x6f: {  	_ =	shalt  }
0x70: {  	_ =	shalt  }
0x71: {  	_ =	shalt  }
0x72: {  	_ =	shalt  }
0x73: {  	_ =	shalt  }
0x74: {  	_ =	shalt  }
0x75: {  	_ =	shalt  }
0x76: {  	_ =	shalt  }
0x77: {  	_ =	shalt  }
0x78: {  	_ =	shalt  }
0x79: {  	_ =	shalt  }
0x7a: {  	_ =	shalt  }
0x7b: {  	_ =	shalt  }
0x7c: {  	_ =	shalt  }
0x7d: {  	_ =	shalt  }
0x7e: {  	_ =	shalt  }
0x7f: {  	_ =	shalt  }
0x80: {  	_ =	shalt  }
0x81: {  	_ =	shalt  }
0x82: {  	_ =	shalt  }
0x83: {  	_ =	shalt  }
0x84: {  	_ =	shalt  }
0x85: {  	_ =	shalt  }
0x86: {  	_ =	shalt  }
0x87: {  	_ =	shalt  }
.Lfunc_end0:
.L_simem_size_0:
called_computation_lowered:
.L_overlay_start_0:
0x88: {  	s2 =	sld [smem:$0x3FD9]  }
0x89: {  	s3 =	sld [smem:$0x3FFE];
	_ =	sdelay $0x1  }
0x8a: {  	s1 =	srdreg.scid  }
0x8b: {  	s0 =	sand.u32 $0x1, s1  }
0x8c: {  	s17 =	sshll.u32 s0, $0xA;
	s2 =	sadd.s32 s3, s2  }
0x8d: {  	s2 =	sadd.s32 s2, s17  }
0x8e: {  	[smem:$0x3FC6] =	sst s2  }
0x8f: {  	_ = 	snop  }
0x90: {  	s2 =	sld [smem:$0x3FD0];
	(tm) =	ssettm $0x1  }
0x91: {  	s18 =	sld [smem:$0x3FFB];
	_ =	sdelay $0x3  }
0x92: {  	_ =	strace s18  }
0x93: {  	s3 =	sld [smem:$0x3FFC];
	_ =	sdelay $0x3  }
0x94: {  	_ =	strace s3  }
0x95: {  	s3 =	sld [smem:$0x3FFD];
	_ =	sdelay $0x3  }
0x96: {  	_ =	strace s3  }
0x97: {  	_ =	strace $0x8FFFFFFF  }
0x98: {  	s19 =	sld [smem:$0x3FDB];
	_ =	sdelay $0x1  }
0x99: {  	s4 =	simm.s32 $_scs_section_size  }
0x9a: {  	s5 =	simm.s32 $_size__tile_overlayer_lowered;
	s6 =	simm.s32 $_tile_overlayer_lowered  }
0x9b: {  	s22 =	simm.s32 $0x1BFF;
	s21 =	sshll.u32 s6, $0x1;
	s3 =	sadd.s32 s4, s19  }
0x9c: {  	s7 =	simm.s32 $0x0;
	s20 =	sshll.u32 s5, $0x1;
	s5 =	sadd.s32 s21, s3  }
0x9d: {  	[timem:s7], [sflag:s22] =	dma.local [hbm:s5], s20  }
0x9e: {  	_ =	swait.ge [sflag:s22], s20  }
0x9f: {  	s4 =	ssub.s32 $0x0, s20;
	[sflag:s22] =	ssyncset.done $0x0  }
0xa0: {  	[sflag:s22] =	ssyncadd.s32 s4;
	_ =	sdelay $0x1  }
0xa1: {  	s23 =	simm.s32 $0x1B8B  }
0xa2: {  	_ =	swait.ge [sflag:s23], $0x1  }
0xa3: {  	[sflag:s23] =	ssyncset.done $0x0  }
0xa4: {  	s25 =	simm.s32 $0x1B8E;
	s24 =	sld [smem:$0x3FFE];
	[sflag:s23] =	ssyncadd.s32 $0xFFFFFFFF  }
0xa5: {  	s26 =	simm.s32 $execute0_lowered;
	[smem:$0x3FD2] =	sst s25  }
0xa6: {  	s5 =	sshll.u32 s26, $0x1;
	_ =	strace $0x80000046;
	[dreg:$0x1] =	wrdreg $0xFFFFFFFF  }
0xa7: {  	s28 =	simm.s32 $_size_execute0_lowered;
	s3 =	sadd.s32 s3, s5;
	[dreg:$0x0] =	wrdreg $0x0  }
0xa8: {  	s5 =	sshll.u32 s28, $0x1;
	[dreg:$0x2] =	wrdreg s3  }
0xa9: {  	[dreg:$0x3] =	wrdreg s5  }
0xaa: {  	[dreg:$0x4] =	wrdreg $0xC0  }
0xab: {  	_ =	task [dreg:s7], $0x5FFFF  }
0xac: {  	[dreg:$0x1] =	wrdreg $0xFFFFFFFF  }
0xad: {  	[dreg:$0x0] =	wrdreg $0x60  }
0xae: {  	[dreg:$0x2] =	wrdreg s2  }
0xaf: {  	[dreg:$0x3] =	wrdreg s24  }
0xb0: {  	[dreg:$0x4] =	wrdreg $0x0  }
0xb1: {  	[dreg:$0x5] =	wrdreg $0x9  }
0xb2: {  	_ =	task.clear_ibuf [dreg:s7], $0x6FFFF;
	_ =	strace $0x90000046  }
0xb3: {  	s29 =	simm.s32 $0x9;
	_ =	strace $0x80000048  }
0xb4: {  	_ =	swait.ge [sflag:s29], $0x1  }
0xb5: {  	[sflag:s29] =	ssyncadd.s32 $0xFFFFFFFF  }
0xb6: {  	_ =	strace $0x90000048  }
0xb7: {  	_ =	sfence  }
0xb8: {  	s30 =	sld [smem:$0x0];
	_ =	sdelay $0x2  }
0xb9: {  	s31 =	sshll.u32 s1, $0xD;
	s1 =	sshrl.u32 s1, $0x2  }
0xba: {  	s3 =	sand.u32 $0x4000, s31;
	s1 =	sadd.s32 s1, s30  }
0xbb: {  	s0 =	sor.u32 s3, s0;
	s1 =	sshll.u32 s1, $0x11  }
0xbc: {  	s0 =	sor.u32 s1, s0  }
0xbd: {  	s0 =	sadd.s32 $0x8F2B, s0  }
0xbe: {  	[sflag:s0] =	ssyncadd.remote.s32 $0x1  }
0xbf: {  	_ =	sfence.sel $0xFFFF  }
0xc0: {  	[dreg:$0x0] =	wrdreg $0xFFFFFFFF;
	(pc) =	sbr.abs _section_cstart, $3  }
0xc1: {  	[dreg:$0x1] =	wrdreg $0xFFFFFFFF  }
0xc2: {  	_ =	task.clear_ibuf [dreg:s7], $0x2FFFF;
	_ =	strace $0x9FFFFFFF  }
0xc3: {  	(tm) =	ssettm $0x7FFFFFFF  }
tec
execute0_lowered:
.L_overlay_start_1:
0x0: {  	(tag) =	ssettag $0x1  }
0x1: {  	s9 =	rddreg [dreg:$0x0]  }
0x2: {  	s4 =	rddreg [dreg:$0x1]  }
0x3: {  	s2 =	rddreg [dreg:$0x2]  }
0x4: {  	s0 =	srdreg.scid;
	s1 =	rddreg [dreg:$0x3]  }
0x5: {  	s3 =	simm.s32 $0x0;
	s14 =	simm.s32 $0x3;
	s15 =	simm.s32 $0x9E00  }
0x6: {  	s16 =	simm.s32 $0xB200;
	s17 =	simm.s32 $0x80;
	s5 =	sand.u32 $0x1, s0  }
0x7: {  	s18 =	simm.s32 $0xC600;
	s0 =	stileid.u32;
	s6 =	smul.u32 $0x280, s5  }
0x8: {  	s19 =	simm.s32 $0xC700;
	s20 =	simm.s32 $0xC680;
	s7 =	smul.u32 $0x28, s0  }
0x9: {  	s21 =	simm.s32 $0x1;
	s22 =	simm.s32 $0x2;
	s8 =	smul.u32 $0x13C000, s5  }
0xa: {  	[smem:$0x7FF] =	sst s3;
	s29 =	smul.u32 $0x13C00, s0;
	s5 =	ssub.s32 $0x2, s5  }
0xb: {  	_ =	strace $0x80000047;
	s30 =	smul.u32 $0x4F000, s0;
	s31 =	sshrl.u32 s5, $0x1  }
0xc: {  	s6 =	sadd.s32 s7, s6;
	s7 =	sadd.s32 s29, s8;
	s13 =	ssub.s32 s5, s31  }
0xd: {  	s10 =	sshll.u32 s6, $0x4;
	s7 =	sshrl.u32 s7, $0x3;
	s6 =	sshrl.u32 s30, $0x2  }
0xe: {  	s11 =	sadd.s32 s10, s4;
	s12 =	sadd.s32 s7, s4;
	s4 =	sadd.s32 s6, s2  }
0xf: {  	s9 =	sadd.s32 s9, s10;
	s5 =	sadd.s32 $0x4000, s4;
	s6 =	sadd.s32 $0x8000, s4  }
0x10: {  	v2 =	vlaneseq.u32;
	s7 =	sadd.s32 $0xC000, s4;
	s8 =	sadd.s32 $0x10000, s4;
	s10 =	sadd.s32 $0x1200, s11  }
0x11: {  	v0 =	vimm.f32 $1.000000000e+00;
	v1 =	vimm.f32 $0.0e+00;
	v2 =	vor.u32 $0x2710, v2;
	s11 =	sadd.s32 $0x6200, s12;
	s12 =	smax.u32 s13, $0x1;
	s13 =	simm.s32 $0x10700  }
.LBB2_1:
0x12: {  	s23 =	simm.s32 $0x0;
	s24 =	simm.s32 $0x200  }
.LBB2_2:
0x13: {  	p0 =	sne.s32 s24, $0xFE00;
	[tilespmem:s23+$0x10730] =	vst v1  }
0x14: {  	[tilespmem:s23+$0xC700] =	vst v0  }
0x15: {  	[tilespmem:s23+$0x10700] =	vst v1  }
.Ltmp0:
0x16: {  	[tilespmem:s23+$0xC710] =	vst v0;
	(pc) =	sbr.rel @p0 .LBB2_2-.Ltmp0, $4  }
0x17: {  	[tilespmem:s23+$0x10710] =	vst v1  }
0x18: {  	[tilespmem:s23+$0xC720] =	vst v0  }
0x19: {  	[tilespmem:s23+$0x10720] =	vst v1  }
0x1a: {  	[tilespmem:s23+$0xC730] =	vst v0;
	s23 =	sshra.s32 s24, $0x2;
	s24 =	sadd.s32 $0x200, s24  }
0x1b: {  	[tilespmem:s23+$0x10730] =	vst v1  }
0x1c: {  	[tilespmem:s23+$0xC700] =	vst v0  }
0x1d: {  	[tilespmem:s23+$0x10700] =	vst v1  }
0x1e: {  	[tilespmem:s23+$0xC710] =	vst v0  }
0x1f: {  	[tilespmem:s23+$0x10710] =	vst v1  }
0x20: {  	[tilespmem:s23+$0xC720] =	vst v0  }
0x21: {  	[tilespmem:s23+$0x10720] =	vst v1  }
0x22: {  	[tilespmem:s23+$0xC730] =	vst v0  }
0x23: {  	[spmem:s4] =	stream.linear.scatter [tilespmem:s13], [sflag:$0x3], $0x4000, $0x38;
	[tilespmem:$0x14700] =	vst v63  }
0x24: {  	_ =	swait.ge [sflag:s14], $0x4000  }
0x25: {  	[sflag:s14] =	ssyncset.done $0x0  }
0x26: {  	[sflag:s14] =	ssyncadd.s32 $0xFFFFC000  }
0x27: {  	[spmem:s5] =	stream.linear.scatter [tilespmem:s13], [sflag:$0x3], $0x4000, $0x38;
	[tilespmem:$0x14700] =	vst v63  }
0x28: {  	_ =	swait.ge [sflag:s14], $0x4000  }
0x29: {  	[sflag:s14] =	ssyncset.done $0x0  }
0x2a: {  	[sflag:s14] =	ssyncadd.s32 $0xFFFFC000  }
0x2b: {  	[spmem:s6] =	stream.linear.scatter [tilespmem:s13], [sflag:$0x3], $0x4000, $0x38;
	[tilespmem:$0x14700] =	vst v63  }
0x2c: {  	_ =	swait.ge [sflag:s14], $0x4000  }
0x2d: {  	[sflag:s14] =	ssyncset.done $0x0  }
0x2e: {  	[sflag:s14] =	ssyncadd.s32 $0xFFFFC000  }
0x2f: {  	[spmem:s7] =	stream.linear.scatter [tilespmem:s13], [sflag:$0x3], $0x4000, $0x38;
	[tilespmem:$0x14700] =	vst v63  }
0x30: {  	_ =	swait.ge [sflag:s14], $0x4000  }
0x31: {  	[sflag:s14] =	ssyncset.done $0x0  }
0x32: {  	[sflag:s14] =	ssyncadd.s32 $0xFFFFC000  }
0x33: {  	[spmem:s8] =	stream.linear.scatter [tilespmem:s13], [sflag:$0x3], $0x3C00, $0x38;
	[tilespmem:$0x14700] =	vst v63  }
0x34: {  	_ =	swait.ge [sflag:s14], $0x3C00  }
0x35: {  	[sflag:s14] =	ssyncset.done $0x0  }
0x36: {  	[sflag:s14] =	ssyncadd.s32 $0xFFFFC400  }
0x37: {  	s31 =	simm.s32 $0x0;
	[bflag:$0x0] =	sbarrier.arrive $0xFFFF  }
0x38: {  	[tilespmem:s15], [sflag:$0x3] =	stream.linear.gather [hbm4b:s9+s31], $0x1400, $0x38;
	[tilespmem:$0x14700] =	vst v63  }
0x39: {  	_ =	swait.ge [sflag:s14], $0x1400  }
0x3a: {  	[sflag:s14] =	ssyncset.done $0x0  }
0x3b: {  	[sflag:s14] =	ssyncadd.s32 $0xFFFFEC00  }
0x3c: {  	[tilespmem:s16], [sflag:$0x3] =	stream.linear.gather [hbm4b:s10+s31], $0x1400, $0x38;
	[tilespmem:$0x14700] =	vst v63  }
0x3d: {  	_ =	swait.ge [sflag:s14], $0x1400  }
0x3e: {  	p0 =	por $0x1, $0x1;
	[sflag:s14] =	ssyncset.done $0x0  }
0x3f: {  	s23 =	simm.s32 @!p0 $0x1;
	[sflag:s14] =	ssyncadd.s32 $0xFFFFEC00  }
0x40: {  	_ =	swait.ge @!p0 [sflag:s23], $0x2000  }
0x41: {  	[sflag:s23] =	ssyncset.done @!p0 $0x0  }
0x42: {  	[sflag:s23] =	ssyncadd.s32 @!p0 $0xFFFFE000;
	s23 =	simm.s32 $0x0  }
0x43: {  	v3 =	vld [tilespmem:s23+$0xB200]  }
0x44: {  	v4 =	vld [tilespmem:s23+$0x9E00];
	_ =	sdelay $0x4  }
0x45: {  	vm0 =	veq.s32 v3, v4  }
0x46: {  	v3 =	vsel vm0, v2, v3  }
0x47: {  	[tilespmem:$0xC600] =	vst v3  }
0x48: {  	v3 =	vld [tilespmem:s23+$0xB210]  }
0x49: {  	v4 =	vld [tilespmem:s23+$0x9E10];
	_ =	sdelay $0x4  }
0x4a: {  	vm15 =	veq.s32 v3, v4  }
0x4b: {  	v3 =	vsel vm15, v2, v3  }
0x4c: {  	[tilespmem:$0xC610] =	vst v3  }
0x4d: {  	v3 =	vld [tilespmem:s23+$0xB220]  }
0x4e: {  	v4 =	vld [tilespmem:s23+$0x9E20];
	_ =	sdelay $0x4  }
0x4f: {  	vm4 =	veq.s32 v3, v4  }
0x50: {  	v3 =	vsel vm4, v2, v3  }
0x51: {  	[tilespmem:$0xC620] =	vst v3  }
0x52: {  	v3 =	vld [tilespmem:s23+$0xB230]  }
0x53: {  	v4 =	vld [tilespmem:s23+$0x9E30];
	_ =	sdelay $0x4  }
0x54: {  	vm5 =	veq.s32 v3, v4  }
0x55: {  	v3 =	vsel vm5, v2, v3  }
0x56: {  	[tilespmem:$0xC630] =	vst v3  }
0x57: {  	v3 =	vld [tilespmem:s23+$0xB240]  }
0x58: {  	v4 =	vld [tilespmem:s23+$0x9E40];
	_ =	sdelay $0x4  }
0x59: {  	vm6 =	veq.s32 v3, v4  }
0x5a: {  	v3 =	vsel vm6, v2, v3  }
0x5b: {  	[tilespmem:$0xC640] =	vst v3  }
0x5c: {  	v3 =	vld [tilespmem:s23+$0xB250]  }
0x5d: {  	v4 =	vld [tilespmem:s23+$0x9E50];
	_ =	sdelay $0x4  }
0x5e: {  	vm7 =	veq.s32 v3, v4  }
0x5f: {  	v3 =	vsel vm7, v2, v3  }
0x60: {  	[tilespmem:$0xC650] =	vst v3  }
0x61: {  	v3 =	vld [tilespmem:s23+$0xB260]  }
0x62: {  	v4 =	vld [tilespmem:s23+$0x9E60];
	_ =	sdelay $0x4  }
0x63: {  	vm8 =	veq.s32 v3, v4  }
0x64: {  	v3 =	vsel vm8, v2, v3  }
0x65: {  	[tilespmem:$0xC660] =	vst v3  }
0x66: {  	v3 =	vld [tilespmem:s23+$0xB270]  }
0x67: {  	v4 =	vld [tilespmem:s23+$0x9E70];
	_ =	sdelay $0x4  }
0x68: {  	vm9 =	veq.s32 v3, v4  }
0x69: {  	v3 =	vsel vm9, v2, v3  }
0x6a: {  	s24 =	simm.s32 @!p0 $0x2;
	[tilespmem:$0xC670] =	vst v3  }
0x6b: {  	[spmem:s2] =	stream.indirect.scatter.add.f32 [tilespmem:s19], [sflag:$0x1], $0x40, s18, s17, $0xb8;
	[tilespmem:$0x14700] =	vst v63  }
0x6c: {  	_ =	swait.ge @!p0 [sflag:s24], $0x2000  }
0x6d: {  	[sflag:s24] =	ssyncset.done @!p0 $0x0  }
0x6e: {  	[sflag:s24] =	ssyncadd.s32 @!p0 $0xFFFFE000  }
0x6f: {  	v3 =	vld [tilespmem:s23+$0xB280]  }
0x70: {  	v4 =	vld [tilespmem:s23+$0x9E80];
	_ =	sdelay $0x4  }
0x71: {  	vm10 =	veq.s32 v3, v4  }
0x72: {  	v3 =	vsel vm10, v2, v3  }
0x73: {  	[tilespmem:$0xC680] =	vst v3  }
0x74: {  	v3 =	vld [tilespmem:s23+$0xB290]  }
0x75: {  	v4 =	vld [tilespmem:s23+$0x9E90];
	_ =	sdelay $0x4  }
0x76: {  	vm11 =	veq.s32 v3, v4  }
0x77: {  	v3 =	vsel vm11, v2, v3  }
0x78: {  	[tilespmem:$0xC690] =	vst v3  }
0x79: {  	v3 =	vld [tilespmem:s23+$0xB2A0]  }
0x7a: {  	v4 =	vld [tilespmem:s23+$0x9EA0];
	_ =	sdelay $0x4  }
0x7b: {  	vm12 =	veq.s32 v3, v4  }
0x7c: {  	v3 =	vsel vm12, v2, v3  }
0x7d: {  	[tilespmem:$0xC6A0] =	vst v3  }
0x7e: {  	v3 =	vld [tilespmem:s23+$0xB2B0]  }
0x7f: {  	v4 =	vld [tilespmem:s23+$0x9EB0];
	_ =	sdelay $0x4  }
0x80: {  	vm13 =	veq.s32 v3, v4  }
0x81: {  	v3 =	vsel vm13, v2, v3  }
0x82: {  	[tilespmem:$0xC6B0] =	vst v3  }
0x83: {  	v3 =	vld [tilespmem:s23+$0xB2C0]  }
0x84: {  	v4 =	vld [tilespmem:s23+$0x9EC0];
	_ =	sdelay $0x4  }
0x85: {  	vm14 =	veq.s32 v3, v4  }
0x86: {  	v3 =	vsel vm14, v2, v3  }
0x87: {  	[tilespmem:$0xC6C0] =	vst v3  }
0x88: {  	v3 =	vld [tilespmem:s23+$0xB2D0]  }
0x89: {  	v4 =	vld [tilespmem:s23+$0x9ED0];
	_ =	sdelay $0x4  }
0x8a: {  	vm15 =	veq.s32 v3, v4  }
0x8b: {  	v3 =	vsel vm15, v2, v3  }
0x8c: {  	[tilespmem:$0xC6D0] =	vst v3  }
0x8d: {  	s24 =	simm.s32 $0x400;
	v3 =	vld [tilespmem:s23+$0xB2E0]  }
.LBB2_4:
0x8e: {  	v4 =	vld [tilespmem:s23+$0x9EE0];
	s25 =	smov.u32 s24;
	s24 =	sadd.s32 $0x400, s24  }
0x8f: {  	p0 =	sne.s32 s24, $0x5000;
	_ =	sdelay $0x3  }
0x90: {  	vm0 =	veq.s32 v3, v4  }
0x91: {  	v3 =	vsel vm0, v2, v3  }
0x92: {  	[tilespmem:$0xC6E0] =	vst v3  }
0x93: {  	v3 =	vld [tilespmem:s23+$0xB2F0]  }
0x94: {  	v4 =	vld [tilespmem:s23+$0x9EF0];
	_ =	sdelay $0x4  }
0x95: {  	vm0 =	veq.s32 v3, v4  }
0x96: {  	p1 =	seq.s32 s25, $0x0;
	v3 =	vsel vm0, v2, v3  }
0x97: {  	s23 =	simm.s32 @!p1 $0x1;
	[tilespmem:$0xC6F0] =	vst v3  }
0x98: {  	[spmem:s2] =	stream.indirect.scatter.add.f32 [tilespmem:s19], [sflag:$0x2], $0x40, s20, s17, $0xb8;
	[tilespmem:$0x14700] =	vst v63  }
0x99: {  	_ =	swait.ge @!p1 [sflag:s23], $0x2000  }
0x9a: {  	[sflag:s23] =	ssyncset.done @!p1 $0x0  }
0x9b: {  	[sflag:s23] =	ssyncadd.s32 @!p1 $0xFFFFE000;
	s23 =	sshra.s32 s25, $0x2  }
0x9c: {  	v3 =	vld [tilespmem:s23+$0xB200]  }
0x9d: {  	v4 =	vld [tilespmem:s23+$0x9E00];
	_ =	sdelay $0x4  }
0x9e: {  	vm0 =	veq.s32 v3, v4  }
0x9f: {  	v3 =	vsel vm0, v2, v3  }
0xa0: {  	[tilespmem:$0xC600] =	vst v3  }
0xa1: {  	v3 =	vld [tilespmem:s23+$0xB210]  }
0xa2: {  	v4 =	vld [tilespmem:s23+$0x9E10];
	_ =	sdelay $0x4  }
0xa3: {  	vm0 =	veq.s32 v3, v4  }
0xa4: {  	v3 =	vsel vm0, v2, v3  }
0xa5: {  	[tilespmem:$0xC610] =	vst v3  }
0xa6: {  	v3 =	vld [tilespmem:s23+$0xB220]  }
0xa7: {  	v4 =	vld [tilespmem:s23+$0x9E20];
	_ =	sdelay $0x4  }
0xa8: {  	vm0 =	veq.s32 v3, v4  }
0xa9: {  	v3 =	vsel vm0, v2, v3  }
0xaa: {  	[tilespmem:$0xC620] =	vst v3  }
0xab: {  	v3 =	vld [tilespmem:s23+$0xB230]  }
0xac: {  	v4 =	vld [tilespmem:s23+$0x9E30];
	_ =	sdelay $0x4  }
0xad: {  	vm0 =	veq.s32 v3, v4  }
0xae: {  	v3 =	vsel vm0, v2, v3  }
0xaf: {  	[tilespmem:$0xC630] =	vst v3  }
0xb0: {  	v3 =	vld [tilespmem:s23+$0xB240]  }
0xb1: {  	v4 =	vld [tilespmem:s23+$0x9E40];
	_ =	sdelay $0x4  }
0xb2: {  	vm0 =	veq.s32 v3, v4  }
0xb3: {  	v3 =	vsel vm0, v2, v3  }
0xb4: {  	[tilespmem:$0xC640] =	vst v3  }
0xb5: {  	v3 =	vld [tilespmem:s23+$0xB250]  }
0xb6: {  	v4 =	vld [tilespmem:s23+$0x9E50];
	_ =	sdelay $0x4  }
0xb7: {  	vm0 =	veq.s32 v3, v4  }
0xb8: {  	v3 =	vsel vm0, v2, v3  }
0xb9: {  	[tilespmem:$0xC650] =	vst v3  }
0xba: {  	v3 =	vld [tilespmem:s23+$0xB260]  }
0xbb: {  	v4 =	vld [tilespmem:s23+$0x9E60];
	_ =	sdelay $0x4  }
0xbc: {  	vm0 =	veq.s32 v3, v4  }
0xbd: {  	v3 =	vsel vm0, v2, v3  }
0xbe: {  	[tilespmem:$0xC660] =	vst v3  }
0xbf: {  	v3 =	vld [tilespmem:s23+$0xB270]  }
0xc0: {  	v4 =	vld [tilespmem:s23+$0x9E70];
	_ =	sdelay $0x4  }
0xc1: {  	vm0 =	veq.s32 v3, v4  }
0xc2: {  	v3 =	vsel vm0, v2, v3  }
0xc3: {  	s25 =	simm.s32 @!p1 $0x2;
	[tilespmem:$0xC670] =	vst v3  }
0xc4: {  	[spmem:s2] =	stream.indirect.scatter.add.f32 [tilespmem:s19], [sflag:$0x1], $0x40, s18, s17, $0xb8;
	[tilespmem:$0x14700] =	vst v63  }
0xc5: {  	_ =	swait.ge @!p1 [sflag:s25], $0x2000  }
0xc6: {  	[sflag:s25] =	ssyncset.done @!p1 $0x0  }
0xc7: {  	[sflag:s25] =	ssyncadd.s32 @!p1 $0xFFFFE000  }
0xc8: {  	v3 =	vld [tilespmem:s23+$0xB280]  }
0xc9: {  	v4 =	vld [tilespmem:s23+$0x9E80];
	_ =	sdelay $0x4  }
0xca: {  	vm0 =	veq.s32 v3, v4  }
0xcb: {  	v3 =	vsel vm0, v2, v3  }
0xcc: {  	[tilespmem:$0xC680] =	vst v3  }
0xcd: {  	v3 =	vld [tilespmem:s23+$0xB290]  }
0xce: {  	v4 =	vld [tilespmem:s23+$0x9E90];
	_ =	sdelay $0x4  }
0xcf: {  	vm0 =	veq.s32 v3, v4  }
0xd0: {  	v3 =	vsel vm0, v2, v3  }
0xd1: {  	[tilespmem:$0xC690] =	vst v3  }
0xd2: {  	v3 =	vld [tilespmem:s23+$0xB2A0]  }
0xd3: {  	v4 =	vld [tilespmem:s23+$0x9EA0];
	_ =	sdelay $0x4  }
0xd4: {  	vm0 =	veq.s32 v3, v4  }
0xd5: {  	v3 =	vsel vm0, v2, v3  }
0xd6: {  	[tilespmem:$0xC6A0] =	vst v3  }
0xd7: {  	v3 =	vld [tilespmem:s23+$0xB2B0]  }
0xd8: {  	v4 =	vld [tilespmem:s23+$0x9EB0];
	_ =	sdelay $0x4  }
0xd9: {  	vm0 =	veq.s32 v3, v4  }
0xda: {  	v3 =	vsel vm0, v2, v3  }
0xdb: {  	[tilespmem:$0xC6B0] =	vst v3  }
0xdc: {  	v3 =	vld [tilespmem:s23+$0xB2C0]  }
0xdd: {  	v4 =	vld [tilespmem:s23+$0x9EC0];
	_ =	sdelay $0x4  }
0xde: {  	vm0 =	veq.s32 v3, v4  }
0xdf: {  	v3 =	vsel vm0, v2, v3  }
0xe0: {  	[tilespmem:$0xC6C0] =	vst v3  }
0xe1: {  	v3 =	vld [tilespmem:s23+$0xB2D0]  }
0xe2: {  	v4 =	vld [tilespmem:s23+$0x9ED0];
	_ =	sdelay $0x3  }
.Ltmp1:
0xe3: {  	(pc) =	sbr.rel @p0 .LBB2_4-.Ltmp1, $4  }
0xe4: {  	vm0 =	veq.s32 v3, v4  }
0xe5: {  	v3 =	vsel vm0, v2, v3  }
0xe6: {  	[tilespmem:$0xC6D0] =	vst v3  }
0xe7: {  	v3 =	vld [tilespmem:s23+$0xB2E0]  }
0xe8: {  	v4 =	vld [tilespmem:s23+$0x9EE0];
	_ =	sdelay $0x4  }
0xe9: {  	vm0 =	veq.s32 v3, v4  }
0xea: {  	v3 =	vsel vm0, v2, v3  }
0xeb: {  	[tilespmem:$0xC6E0] =	vst v3  }
0xec: {  	v3 =	vld [tilespmem:s23+$0xB2F0]  }
0xed: {  	v63 =	vld [tilespmem:s23+$0x9EF0];
	_ =	sdelay $0x4  }
0xee: {  	vm15 =	veq.s32 v3, v63  }
0xef: {  	v3 =	vsel vm15, v2, v3  }
0xf0: {  	[tilespmem:$0xC6F0] =	vst v3  }
0xf1: {  	[spmem:s2] =	stream.indirect.scatter.add.f32 [tilespmem:s19], [sflag:$0x2], $0x40, s20, s17, $0xb8;
	[tilespmem:$0x14700] =	vst v63  }
0xf2: {  	_ =	swait.ge [sflag:s21], $0x2000  }
0xf3: {  	[sflag:s21] =	ssyncset.done $0x0  }
0xf4: {  	[sflag:s21] =	ssyncadd.s32 $0xFFFFE000  }
0xf5: {  	_ =	swait.ge [sflag:s22], $0x2000  }
0xf6: {  	s31 =	sshll.u32 s0, $0x6;
	s3 =	sadd.s32 $0x1, s3;
	[sflag:s22] =	ssyncset.done $0x0  }
0xf7: {  	s24 =	sshrl.u32 s4, $0x3;
	p0 =	sne.s32 s3, s12;
	[sflag:s22] =	ssyncadd.s32 $0xFFFFE000  }
.Ltmp2:
0xf8: {  	s23 =	sor.u32 $0x1C03, s31;
	[bflag:$0x0] =	sbarrier.arrive $0xFFFF;
	(pc) =	sbr.rel @p0 .LBB2_1-.Ltmp2, $4  }
0xf9: {  	[hbm:s11], [sflag:s23] =	dma.local [spmem:s24], $0x2780  }
0xfa: {  	_ =	swait.ge [sflag:s14], $0x2780  }
0xfb: {  	[sflag:s14] =	ssyncset.done $0x0  }
0xfc: {  	[sflag:s14] =	ssyncadd.s32 $0xFFFFD880  }
0xfd: {  	_ =	sfence.sel $0x180000  }
0xfe: {  	[bflag:$0x0] =	sbarrier.arrive $0xFFFF  }
0xff: {  	p0 =	sne.s32 s0, $0x0;
	_ =	strace $0x90000047  }
0x100: {  	s0 =	sadd.s32 @!p0 $0x100000, s1;
	[bflag:$0x2] =	sbarrier.arrive $0xFFFF  }
0x101: {  	[sflag:s0] =	ssyncadd.tile.s32 @!p0 $0x1;
	_ =	shalt  }
.Lfunc_end2:
_tile_overlayer_lowered:
.L_overlay_start_2:
0x102: {  	(tag) =	ssettag $0x2  }
0x103: {  	s0 =	rddreg [dreg:$0x0];
	s2 =	stileid.u32  }
0x104: {  	s1 =	rddreg [dreg:$0x1];
	p0 =	sne.s32 s2, $0x0  }
0x105: {  	s3 =	rddreg [dreg:$0x2];
	[bflag:$0x3] =	sbarrier.arrive $0xFFFF;
	s2 =	simm.s32 @!p0 $0x1C03  }
0x106: {  	[timem:s3], [sflag:s2] =	dma.local @!p0 [hbm:s0], s1  }
0x107: {  	s0 =	simm.s32 @!p0 $0x3  }
0x108: {  	_ =	swait.ge @!p0 [sflag:s0], s1  }
0x109: {  	s1 =	ssub.s32 @!p0 $0x0, s1;
	[sflag:s0] =	ssyncset.done @!p0 $0x0  }
0x10a: {  	[sflag:s0] =	ssyncadd.s32 @!p0 s1  }
0x10b: {  	[bflag:$0x3] =	sbarrier.arrive $0xFFFF  }
0x10c: {  	_ =	shalt  }

// kernel: kernel.9.cloned.1.call-start
scs
__scs_entry_jumppad:
0x0: {  	(pc) =	sbr.rel $0x88, $3  }
0x1: {  	(tag) =	ssettag $0x0;
	lr =	simm.s32 $0x1  }
0x2: {  	[smem:$0x3F9F] =	sst lr;
	_ =	strace $0xD0000000  }
0x3: {  	_ = 	snop  }
0x4: {  	_ = 	snop  }
0x5: {  	_ = 	snop  }
0x6: {  	_ = 	snop  }
0x7: {  	_ = 	snop  }
__scs_overlays_trampoline_lowered:
0x8: {  	[smem:$0x3FAE] =	sst s0  }
0x9: {  	[smem:$0x3FAF] =	sst s1  }
0xa: {  	[smem:$0x3FB0] =	sst s2  }
0xb: {  	[smem:$0x3FB1] =	sst s3  }
0xc: {  	[smem:$0x3FB2] =	sst s4  }
0xd: {  	[smem:$0x3FB3] =	sst s5  }
0xe: {  	[smem:$0x3FB4] =	sst s6  }
0xf: {  	[smem:$0x3FB5] =	sst s7  }
0x10: {  	[smem:$0x3FB6] =	sst s8  }
0x11: {  	[smem:$0x3FB7] =	sst s9;
	s0 =	simm.s32 @!p0 $0x0  }
0x12: {  	s1 =	sld [smem:$0x3F9D];
	s0 =	simm.s32 @p0 $0x1  }
0x13: {  	[smem:$0x3FB8] =	sst s0;
	s0 =	simm.s32 @!p1 $0x0  }
0x14: {  	s2 =	sld [smem:$0x3F9C];
	s0 =	simm.s32 @p1 $0x1  }
0x15: {  	[smem:$0x3FB9] =	sst s0;
	s0 =	simm.s32 @!p2 $0x0  }
0x16: {  	s3 =	sld [smem:$0x3FDB];
	s0 =	simm.s32 @p2 $0x1  }
0x17: {  	s4 =	simm.s32 $0x1BF5;
	[smem:$0x3FBB] =	sst s0  }
0x18: {  	s0 =	sld [smem:$0x3F9E];
	_ =	swait.ge [sflag:s4], $0x0  }
0x19: {  	s7 =	sld [smem:$0x3F9F]  }
0x1a: {  	s8 =	sadd.s32 $0xFFFFE003, lr  }
0x1b: {  	s9 =	sadd.s32 $0xFFFFFEF7, lr;
	s5 =	simm.s32 $0xFFFFFFFF;
	p2 =	slt.u32 s8, $0xFFFFF086  }
0x1c: {  	p1 =	slt.u32 s9, $0xF7A;
	s5 =	simm.s32 @!p2 $0x0  }
0x1d: {  	s5 =	simm.s32 @p1 $0x1;
	p0 =	seq.s32 s7, s2  }
0x1e: {  	s7 =	smul.u32 @!p0 $0xF7A, s2;
	p2 =	seq.s32 @!p0 s5, $0x0  }
0x1f: {  	s9 =	smul.u32 $0xF7A, s1;
	s8 =	simm.s32 @!p0 $0x1BF5;
	p2 =	por !p2, p0  }
0x20: {  	[sflag:s8] =	ssyncset.s32 @!p0 $0xFFFFF086;
	s6 =	sadd.s32 @!p0 s3, s7;
	s7 =	simm.s32 @!p0 $0x108  }
0x21: {  	s3 =	sadd.s32 s3, s9;
	s6 =	sadd.s32 @!p0 $0x88, s6;
	s7 =	simm.s32 @p2 $0x1082  }
0x22: {  	[simem:s7], [sflag:s8] =	dma.local @!p0 [hbm:s6], $0xF7A  }
0x23: {  	s9 =	sor.u32 $0xD0000000, s2;
	s6 =	simm.s32 $0x108;
	_ =	swait.ge @!p0 [sflag:s8], $0x0  }
0x24: {  	s3 =	sadd.s32 $0x88, s3;
	s6 =	simm.s32 @!p1 $0x1082;
	[sflag:s4] =	ssyncset.s32 $0xFFFFF086  }
0x25: {  	[simem:s6], [sflag:s4] =	dma.local [hbm:s3], $0xF7A  }
0x26: {  	[smem:$0x3F9F] =	sst s1;
	(tag) =	ssettag s2;
	_ =	strace s9  }
0x27: {  	s1 =	sld [smem:$0x3FAF]  }
0x28: {  	s2 =	sld [smem:$0x3FB0]  }
0x29: {  	s4 =	sld [smem:$0x3FB2]  }
0x2a: {  	p0 =	seq.s32 s5, $0x0;
	s5 =	sld [smem:$0x3FB3]  }
0x2b: {  	s6 =	sld [smem:$0x3FB4]  }
0x2c: {  	s7 =	sld [smem:$0x3FB5]  }
0x2d: {  	s3 =	simm.s32 $0x108;
	s8 =	sld [smem:$0x3FB6]  }
0x2e: {  	s3 =	simm.s32 @!p0 $0x1082;
	s9 =	sld [smem:$0x3FB7]  }
0x2f: {  	lr =	sadd.s32 s0, s3;
	s0 =	sld [smem:$0x3FAE]  }
0x30: {  	s3 =	sld [smem:$0x3FB1]  }
0x31: {  	[smem:$0x3FBA] =	sst s10  }
0x32: {  	s10 =	sld [smem:$0x3FB8];
	_ =	sdelay $0x3  }
0x33: {  	p0 =	seq.s32 s10, $0x1;
	s10 =	sld [smem:$0x3FBA];
	_ =	sdelay $0x3  }
0x34: {  	[smem:$0x3FBA] =	sst s10  }
0x35: {  	s10 =	sld [smem:$0x3FB9];
	_ =	sdelay $0x3  }
0x36: {  	p1 =	seq.s32 s10, $0x1;
	s10 =	sld [smem:$0x3FBA];
	_ =	sdelay $0x3  }
0x37: {  	[smem:$0x3FBA] =	sst s10  }
0x38: {  	s10 =	sld [smem:$0x3FBB]  }
0x39: {  	_ = 	snop;
	(pc) =	sbr.ind lr, $3  }
0x3a: {  	_ = 	snop  }
0x3b: {  	_ = 	snop  }
0x3c: {  	p2 =	seq.s32 s10, $0x1;
	s10 =	sld [smem:$0x3FBA]  }
0x3d: {  	_ =	shalt  }
0x3e: {  	_ =	shalt  }
0x3f: {  	_ =	shalt  }
0x40: {  	_ =	shalt  }
0x41: {  	_ =	shalt  }
0x42: {  	_ =	shalt  }
0x43: {  	_ =	shalt  }
0x44: {  	_ =	shalt  }
0x45: {  	_ =	shalt  }
0x46: {  	_ =	shalt  }
0x47: {  	_ =	shalt  }
0x48: {  	_ =	shalt  }
0x49: {  	_ =	shalt  }
0x4a: {  	_ =	shalt  }
0x4b: {  	_ =	shalt  }
0x4c: {  	_ =	shalt  }
0x4d: {  	_ =	shalt  }
0x4e: {  	_ =	shalt  }
0x4f: {  	_ =	shalt  }
0x50: {  	_ =	shalt  }
0x51: {  	_ =	shalt  }
0x52: {  	_ =	shalt  }
0x53: {  	_ =	shalt  }
0x54: {  	_ =	shalt  }
0x55: {  	_ =	shalt  }
0x56: {  	_ =	shalt  }
0x57: {  	_ =	shalt  }
0x58: {  	_ =	shalt  }
0x59: {  	_ =	shalt  }
0x5a: {  	_ =	shalt  }
0x5b: {  	_ =	shalt  }
0x5c: {  	_ =	shalt  }
0x5d: {  	_ =	shalt  }
0x5e: {  	_ =	shalt  }
0x5f: {  	_ =	shalt  }
0x60: {  	_ =	shalt  }
0x61: {  	_ =	shalt  }
0x62: {  	_ =	shalt  }
0x63: {  	_ =	shalt  }
0x64: {  	_ =	shalt  }
0x65: {  	_ =	shalt  }
0x66: {  	_ =	shalt  }
0x67: {  	_ =	shalt  }
0x68: {  	_ =	shalt  }
0x69: {  	_ =	shalt  }
0x6a: {  	_ =	shalt  }
0x6b: {  	_ =	shalt  }
0x6c: {  	_ =	shalt  }
0x6d: {  	_ =	shalt  }
0x6e: {  	_ =	shalt  }
0x6f: {  	_ =	shalt  }
0x70: {  	_ =	shalt  }
0x71: {  	_ =	shalt  }
0x72: {  	_ =	shalt  }
0x73: {  	_ =	shalt  }
0x74: {  	_ =	shalt  }
0x75: {  	_ =	shalt  }
0x76: {  	_ =	shalt  }
0x77: {  	_ =	shalt  }
0x78: {  	_ =	shalt  }
0x79: {  	_ =	shalt  }
0x7a: {  	_ =	shalt  }
0x7b: {  	_ =	shalt  }
0x7c: {  	_ =	shalt  }
0x7d: {  	_ =	shalt  }
0x7e: {  	_ =	shalt  }
0x7f: {  	_ =	shalt  }
0x80: {  	_ =	shalt  }
0x81: {  	_ =	shalt  }
0x82: {  	_ =	shalt  }
0x83: {  	_ =	shalt  }
0x84: {  	_ =	shalt  }
0x85: {  	_ =	shalt  }
0x86: {  	_ =	shalt  }
0x87: {  	_ =	shalt  }
.Lfunc_end0:
.L_simem_size_0:
called_computation.1_lowered:
.L_overlay_start_0:
0x88: {  	s2 =	sld [smem:$0x3FD9]  }
0x89: {  	s3 =	sld [smem:$0x3FFE];
	_ =	sdelay $0x1  }
0x8a: {  	s1 =	srdreg.scid  }
0x8b: {  	s0 =	sand.u32 $0x1, s1  }
0x8c: {  	s17 =	sshll.u32 s0, $0xA;
	s2 =	sadd.s32 s3, s2  }
0x8d: {  	s2 =	sadd.s32 s2, s17  }
0x8e: {  	[smem:$0x3FC6] =	sst s2  }
0x8f: {  	_ = 	snop  }
0x90: {  	s2 =	sld [smem:$0x3FD0];
	(tm) =	ssettm $0x1  }
0x91: {  	s18 =	sld [smem:$0x3FFB];
	_ =	sdelay $0x3  }
0x92: {  	_ =	strace s18  }
0x93: {  	s3 =	sld [smem:$0x3FFC];
	_ =	sdelay $0x3  }
0x94: {  	_ =	strace s3  }
0x95: {  	s3 =	sld [smem:$0x3FFD];
	_ =	sdelay $0x3  }
0x96: {  	_ =	strace s3  }
0x97: {  	_ =	strace $0x8FFFFFFF  }
0x98: {  	s19 =	sld [smem:$0x3FDB];
	_ =	sdelay $0x1  }
0x99: {  	s4 =	simm.s32 $_scs_section_size  }
0x9a: {  	s5 =	simm.s32 $_size__tile_overlayer_lowered;
	s6 =	simm.s32 $_tile_overlayer_lowered  }
0x9b: {  	s22 =	simm.s32 $0x1BFF;
	s21 =	sshll.u32 s6, $0x1;
	s3 =	sadd.s32 s4, s19  }
0x9c: {  	s7 =	simm.s32 $0x0;
	s20 =	sshll.u32 s5, $0x1;
	s5 =	sadd.s32 s21, s3  }
0x9d: {  	[timem:s7], [sflag:s22] =	dma.local [hbm:s5], s20  }
0x9e: {  	_ =	swait.ge [sflag:s22], s20  }
0x9f: {  	s4 =	ssub.s32 $0x0, s20;
	[sflag:s22] =	ssyncset.done $0x0  }
0xa0: {  	[sflag:s22] =	ssyncadd.s32 s4;
	_ =	sdelay $0x1  }
0xa1: {  	s23 =	simm.s32 $0x1B8B  }
0xa2: {  	_ =	swait.ge [sflag:s23], $0x1  }
0xa3: {  	[sflag:s23] =	ssyncset.done $0x0  }
0xa4: {  	s25 =	simm.s32 $0x1B8E;
	s24 =	sld [smem:$0x3FFE];
	[sflag:s23] =	ssyncadd.s32 $0xFFFFFFFF  }
0xa5: {  	s26 =	simm.s32 $execute0_lowered;
	[smem:$0x3FD2] =	sst s25  }
0xa6: {  	s5 =	sshll.u32 s26, $0x1;
	_ =	strace $0x80000049;
	[dreg:$0x1] =	wrdreg $0xFFFFFFFF  }
0xa7: {  	s28 =	simm.s32 $_size_execute0_lowered;
	s3 =	sadd.s32 s3, s5;
	[dreg:$0x0] =	wrdreg $0x0  }
0xa8: {  	s5 =	sshll.u32 s28, $0x1;
	[dreg:$0x2] =	wrdreg s3  }
0xa9: {  	[dreg:$0x3] =	wrdreg s5  }
0xaa: {  	[dreg:$0x4] =	wrdreg $0xC0  }
0xab: {  	_ =	task [dreg:s7], $0x5FFFF  }
0xac: {  	[dreg:$0x1] =	wrdreg $0xFFFFFFFF  }
0xad: {  	[dreg:$0x0] =	wrdreg $0x60  }
0xae: {  	[dreg:$0x2] =	wrdreg s24  }
0xaf: {  	[dreg:$0x3] =	wrdreg s2  }
0xb0: {  	[dreg:$0x4] =	wrdreg $0x0  }
0xb1: {  	[dreg:$0x5] =	wrdreg $0x9  }
0xb2: {  	_ =	task.clear_ibuf [dreg:s7], $0x6FFFF;
	_ =	strace $0x90000049  }
0xb3: {  	s29 =	simm.s32 $0x9;
	_ =	strace $0x8000004B  }
0xb4: {  	_ =	swait.ge [sflag:s29], $0x1  }
0xb5: {  	[sflag:s29] =	ssyncadd.s32 $0xFFFFFFFF  }
0xb6: {  	_ =	strace $0x9000004B  }
0xb7: {  	_ =	sfence  }
0xb8: {  	s30 =	sld [smem:$0x0];
	_ =	sdelay $0x2  }
0xb9: {  	s31 =	sshll.u32 s1, $0xD;
	s1 =	sshrl.u32 s1, $0x2  }
0xba: {  	s3 =	sand.u32 $0x4000, s31;
	s1 =	sadd.s32 s1, s30  }
0xbb: {  	s0 =	sor.u32 s3, s0;
	s1 =	sshll.u32 s1, $0x11  }
0xbc: {  	s0 =	sor.u32 s1, s0  }
0xbd: {  	s0 =	sadd.s32 $0x8F2B, s0  }
0xbe: {  	[sflag:s0] =	ssyncadd.remote.s32 $0x1  }
0xbf: {  	_ =	sfence.sel $0xFFFF  }
0xc0: {  	[dreg:$0x0] =	wrdreg $0xFFFFFFFF;
	(pc) =	sbr.abs _section_cstart, $3  }
0xc1: {  	[dreg:$0x1] =	wrdreg $0xFFFFFFFF  }
0xc2: {  	_ =	task.clear_ibuf [dreg:s7], $0x2FFFF;
	_ =	strace $0x9FFFFFFF  }
0xc3: {  	(tm) =	ssettm $0x7FFFFFFF  }
tec
execute0_lowered:
.L_overlay_start_1:
0x0: {  	(tag) =	ssettag $0x1  }
0x1: {  	s1 =	rddreg [dreg:$0x0];
	s0 =	stileid.u32  }
0x2: {  	s3 =	srdreg.scid;
	s2 =	rddreg [dreg:$0x1]  }
0x3: {  	s4 =	simm.s32 $0x0;
	s14 =	simm.s32 $0x14000;
	s15 =	simm.s32 $0x7  }
0x4: {  	s16 =	simm.s32 $0x13C00;
	s18 =	simm.s32 $0x1;
	s19 =	simm.s32 $0x80  }
0x5: {  	s20 =	simm.s32 $0x13E00;
	s21 =	simm.s32 $0x4;
	s28 =	simm.s32 $0x3  }
0x6: {  	s29 =	simm.s32 $0x13F00;
	s30 =	simm.s32 $0x5;
	s5 =	smul.u32 $0xA00, s0  }
0x7: {  	s6 =	sand.u32 $0x1, s3;
	s3 =	rddreg [dreg:$0x2];
	s8 =	smul.u32 $0x13C00, s0  }
0x8: {  	s31 =	simm.s32 $0x0;
	[smem:$0x7FF] =	sst s4;
	s9 =	smul.u32 $0x4F000, s0  }
0x9: {  	s7 =	smul.u32 $0x13C000, s6;
	_ =	strace $0x8000004A;
	s23 =	ssub.s32 $0x2, s6  }
0xa: {  	s17 =	smul.u32 $0x2710, s6;
	s11 =	sadd.s32 s5, s1;
	s25 =	sshrl.u32 s23, $0x1  }
0xb: {  	s24 =	sshrl.u32 s9, $0x2;
	s22 =	sadd.s32 s8, s7;
	s13 =	ssub.s32 s23, s25  }
0xc: {  	s10 =	sadd.s32 $0x55200, s11;
	s11 =	sadd.s32 $0x55220, s11;
	s23 =	simm.s32 $0x18000  }
.Ltmp0:
0xd: {  	s25 =	simm.s32 $0x2;
	s5 =	sshrl.u32 s22, $0x3;
	(pc) =	sbr.rel .LBB2_1-.Ltmp0, $4  }
0xe: {  	s13 =	smax.u32 s13, $0x1;
	s1 =	sadd.s32 s5, s1;
	s5 =	sadd.s32 s24, s3  }
0xf: {  	s22 =	simm.s32 $0x13F80;
	s24 =	simm.s32 $0x6;
	s26 =	sadd.s32 $0x4000, s5  }
0x10: {  	v2 =	vlaneseq.u32;
	s7 =	sadd.s32 $0x8000, s5;
	s8 =	sadd.s32 $0xC000, s5;
	s9 =	sadd.s32 $0x10000, s5  }
0x11: {  	v1 =	vimm.f32 $0.0e+00;
	v2 =	vor.u32 $0x2710, v2;
	v0 =	vmov s17;
	s12 =	sadd.s32 $0x1200, s1;
	[dreg:$0x4] =	wrdreg s26;
	s26 =	simm.s32 $0x13E80  }
.LBB2_9:
0x12: {  	_ =	swait.ge [sflag:s21], $0x4000  }
0x13: {  	[sflag:s21] =	ssyncset.done $0x0  }
0x14: {  	[sflag:s21] =	ssyncadd.s32 $0xFFFFC000  }
0x15: {  	[spmem:s3] =	stream.indirect.scatter.add.f32 [tilespmem:s23], [sflag:$0x6], $0x80, s22, s19, $0xb8;
	[tilespmem:$0x1C000] =	vst v63  }
0x16: {  	_ =	swait.ge [sflag:s30], $0x4000  }
0x17: {  	[sflag:s30] =	ssyncset.done $0x0  }
0x18: {  	[sflag:s30] =	ssyncadd.s32 $0xFFFFC000  }
0x19: {  	s0 =	stileid.u32;
	_ =	swait.ge [sflag:s24], $0x4000  }
0x1a: {  	s1 =	sshrl.u32 s5, $0x3;
	s31 =	sadd.s32 $0x1, s31;
	[sflag:s24] =	ssyncset.done $0x0  }
0x1b: {  	s0 =	sshll.u32 s0, $0x6;
	p0 =	sne.s32 s31, s13;
	[sflag:s24] =	ssyncadd.s32 $0xFFFFC000  }
.Ltmp1:
0x1c: {  	s0 =	sor.u32 $0x1C07, s0;
	[bflag:$0x0] =	sbarrier.arrive $0xFFFF;
	(pc) =	sbr.rel @!p0 .LBB2_10-.Ltmp1, $4  }
0x1d: {  	[hbm:s12], [sflag:s0] =	dma.local [spmem:s1], $0x2780  }
0x1e: {  	_ =	swait.ge [sflag:s15], $0x2780  }
0x1f: {  	[sflag:s15] =	ssyncset.done $0x0  }
0x20: {  	[sflag:s15] =	ssyncadd.s32 $0xFFFFD880  }
.LBB2_1:
0x21: {  	s1 =	simm.s32 $0x0;
	s17 =	simm.s32 $0x200  }
.LBB2_2:
0x22: {  	p0 =	sne.s32 s17, $0xFE00;
	[tilespmem:s1+$0x14070] =	vst v1  }
0x23: {  	[tilespmem:s1+$0x14000] =	vst v1  }
0x24: {  	[tilespmem:s1+$0x14010] =	vst v1  }
.Ltmp2:
0x25: {  	[tilespmem:s1+$0x14020] =	vst v1;
	(pc) =	sbr.rel @p0 .LBB2_2-.Ltmp2, $4  }
0x26: {  	[tilespmem:s1+$0x14030] =	vst v1  }
0x27: {  	[tilespmem:s1+$0x14040] =	vst v1  }
0x28: {  	[tilespmem:s1+$0x14050] =	vst v1  }
0x29: {  	[tilespmem:s1+$0x14060] =	vst v1;
	s1 =	sshra.s32 s17, $0x2;
	s17 =	sadd.s32 $0x200, s17  }
0x2a: {  	[tilespmem:s1+$0x14070] =	vst v1  }
0x2b: {  	[tilespmem:s1+$0x14000] =	vst v1  }
0x2c: {  	[tilespmem:s1+$0x14010] =	vst v1  }
0x2d: {  	[tilespmem:s1+$0x14020] =	vst v1  }
0x2e: {  	[tilespmem:s1+$0x14030] =	vst v1  }
0x2f: {  	[tilespmem:s1+$0x14040] =	vst v1  }
0x30: {  	[tilespmem:s1+$0x14050] =	vst v1  }
0x31: {  	[tilespmem:s1+$0x14060] =	vst v1  }
0x32: {  	[spmem:s5] =	stream.linear.scatter [tilespmem:s14], [sflag:$0x7], $0x4000, $0x38;
	[tilespmem:$0x1C000] =	vst v63  }
0x33: {  	_ =	swait.ge [sflag:s15], $0x4000  }
0x34: {  	[sflag:s15] =	ssyncset.done $0x0  }
0x35: {  	s0 =	rddreg [dreg:$0x4];
	[sflag:s15] =	ssyncadd.s32 $0xFFFFC000  }
0x36: {  	[spmem:s0] =	stream.linear.scatter [tilespmem:s14], [sflag:$0x7], $0x4000, $0x38;
	[tilespmem:$0x1C000] =	vst v63  }
0x37: {  	_ =	swait.ge [sflag:s15], $0x4000  }
0x38: {  	[sflag:s15] =	ssyncset.done $0x0  }
0x39: {  	[sflag:s15] =	ssyncadd.s32 $0xFFFFC000  }
0x3a: {  	[spmem:s7] =	stream.linear.scatter [tilespmem:s14], [sflag:$0x7], $0x4000, $0x38;
	[tilespmem:$0x1C000] =	vst v63  }
0x3b: {  	_ =	swait.ge [sflag:s15], $0x4000  }
0x3c: {  	[sflag:s15] =	ssyncset.done $0x0  }
0x3d: {  	[sflag:s15] =	ssyncadd.s32 $0xFFFFC000  }
0x3e: {  	[spmem:s8] =	stream.linear.scatter [tilespmem:s14], [sflag:$0x7], $0x4000, $0x38;
	[tilespmem:$0x1C000] =	vst v63  }
0x3f: {  	_ =	swait.ge [sflag:s15], $0x4000  }
0x40: {  	[sflag:s15] =	ssyncset.done $0x0  }
0x41: {  	[sflag:s15] =	ssyncadd.s32 $0xFFFFC000  }
0x42: {  	[spmem:s9] =	stream.linear.scatter [tilespmem:s14], [sflag:$0x7], $0x3C00, $0x38;
	[tilespmem:$0x1C000] =	vst v63  }
0x43: {  	_ =	swait.ge [sflag:s15], $0x3C00  }
0x44: {  	[sflag:s15] =	ssyncset.done $0x0  }
.Ltmp3:
0x45: {  	[sflag:s15] =	ssyncadd.s32 $0xFFFFC400;
	(pc) =	sbr.rel .LBB2_4-.Ltmp3, $4  }
0x46: {  	s1 =	simm.s32 $0x0;
	[bflag:$0x0] =	sbarrier.arrive $0xFFFF  }
0x47: {  	[tilespmem:s16], [sflag:$0x1] =	stream.linear.gather [hbm4b:s10+s1], $0x100, $0x38;
	[tilespmem:$0x1C000] =	vst v63  }
0x48: {  	s17 =	simm.s32 $0x13D00  }
0x49: {  	[tilespmem:s17], [sflag:$0x2] =	stream.linear.gather [hbm4b:s11+s1], $0x100, $0x38;
	[tilespmem:$0x1C000] =	vst v63  }
.LBB2_5:
0x4a: {  	[tilespmem:s14], [sflag:$0x3] =	stream.indirect.gather [hbm4b:s2+s19], $0x80, s20, s19, $0xb8;
	[tilespmem:$0x1C000] =	vst v63  }
.LBB2_7:
0x4b: {  	_ =	swait.ge [sflag:s21], $0x4000  }
0x4c: {  	[sflag:s21] =	ssyncset.done $0x0  }
0x4d: {  	[sflag:s21] =	ssyncadd.s32 $0xFFFFC000  }
0x4e: {  	[spmem:s3] =	stream.indirect.scatter.add.f32 [tilespmem:s23], [sflag:$0x6], $0x80, s22, s19, $0xb8;
	[tilespmem:$0x1C000] =	vst v63  }
0x4f: {  	_ =	swait.ge [sflag:s24], $0x4000  }
0x50: {  	[sflag:s24] =	ssyncset.done $0x0  }
0x51: {  	[sflag:s24] =	ssyncadd.s32 $0xFFFFC000  }
.LBB2_8:
0x52: {  	_ =	swait.ge [sflag:s25], $0x100  }
0x53: {  	[sflag:s25] =	ssyncset.done $0x0  }
0x54: {  	[sflag:s25] =	ssyncadd.s32 $0xFFFFFF00  }
0x55: {  	v3 =	vld [tilespmem:$0x13D80]  }
0x56: {  	v4 =	vld [tilespmem:$0x13D00]  }
0x57: {  	v5 =	vld [tilespmem:$0x13D90]  }
0x58: {  	v6 =	vld [tilespmem:$0x13D10]  }
0x59: {  	v7 =	vld [tilespmem:$0x13DA0]  }
0x5a: {  	v8 =	vld [tilespmem:$0x13D20]  }
0x5b: {  	v9 =	vld [tilespmem:$0x13DB0];
	vm0 =	vgt.s32 v3, $0x270F;
	vm1 =	veq.s32 v3, v4  }
0x5c: {  	v10 =	vld [tilespmem:$0x13D30];
	v4 =	vadd.s32 v0, v4;
	vm0 =	vmor vm0, vm1  }
0x5d: {  	v56 =	vld [tilespmem:$0x13DC0];
	vm14 =	vgt.s32 v5, $0x270F;
	vm15 =	veq.s32 v5, v6;
	[tilespmem:$0x13E80] =	vst v4;
	v3 =	vsel vm0, v2, v3  }
0x5e: {  	v57 =	vld [tilespmem:$0x13D40];
	vm0 =	vmor vm14, vm15;
	[tilespmem:$0x13F80] =	vst v3;
	v3 =	vadd.s32 v0, v6  }
0x5f: {  	v58 =	vld [tilespmem:$0x13DD0];
	vm4 =	vgt.s32 v7, $0x270F;
	vm5 =	veq.s32 v7, v8;
	[tilespmem:$0x13E90] =	vst v3;
	v3 =	vsel vm0, v2, v5  }
0x60: {  	v59 =	vld [tilespmem:$0x13D50];
	vm0 =	vmor vm4, vm5;
	[tilespmem:$0x13F90] =	vst v3;
	v3 =	vadd.s32 v0, v8  }
0x61: {  	v60 =	vld [tilespmem:$0x13DE0];
	vm6 =	vgt.s32 v9, $0x270F;
	vm7 =	veq.s32 v9, v10;
	[tilespmem:$0x13EA0] =	vst v3;
	v3 =	vsel vm0, v2, v7  }
0x62: {  	v61 =	vld [tilespmem:$0x13D60];
	vm0 =	vmor vm6, vm7;
	[tilespmem:$0x13FA0] =	vst v3;
	v3 =	vadd.s32 v0, v10  }
0x63: {  	v62 =	vld [tilespmem:$0x13DF0];
	vm8 =	vgt.s32 v56, $0x270F;
	vm9 =	veq.s32 v56, v57;
	[tilespmem:$0x13EB0] =	vst v3;
	v3 =	vsel vm0, v2, v9  }
0x64: {  	v63 =	vld [tilespmem:$0x13D70];
	vm0 =	vmor vm8, vm9;
	[tilespmem:$0x13FB0] =	vst v3;
	v3 =	vadd.s32 v0, v57  }
0x65: {  	vm10 =	vgt.s32 v58, $0x270F;
	vm11 =	veq.s32 v58, v59;
	[tilespmem:$0x13EC0] =	vst v3;
	v3 =	vsel vm0, v2, v56  }
0x66: {  	vm0 =	vmor vm10, vm11;
	[tilespmem:$0x13FC0] =	vst v3;
	v3 =	vadd.s32 v0, v59  }
0x67: {  	vm12 =	vgt.s32 v60, $0x270F;
	vm13 =	veq.s32 v60, v61;
	[tilespmem:$0x13ED0] =	vst v3;
	v3 =	vsel vm0, v2, v58  }
0x68: {  	vm0 =	vmor vm12, vm13;
	[tilespmem:$0x13FD0] =	vst v3;
	v3 =	vadd.s32 v0, v61  }
0x69: {  	vm14 =	vgt.s32 v62, $0x270F;
	vm15 =	veq.s32 v62, v63;
	[tilespmem:$0x13EE0] =	vst v3;
	v3 =	vsel vm0, v2, v60  }
0x6a: {  	p0 =	seq.s32 s1, $0x9C0;
	vm0 =	vmor vm14, vm15;
	[tilespmem:$0x13FE0] =	vst v3;
	v3 =	vadd.s32 v0, v63  }
0x6b: {  	s17 =	sadd.s32 @!p0 s1, s10;
	s0 =	simm.s32 @!p0 $0x0;
	[tilespmem:$0x13EF0] =	vst v3;
	v3 =	vsel vm0, v2, v62  }
0x6c: {  	s6 =	simm.s32 @!p0 $0x13D00;
	s1 =	sadd.s32 $0x40, s1;
	s17 =	sadd.s32 @!p0 $0x60, s17;
	[tilespmem:$0x13FF0] =	vst v3  }
0x6d: {  	[tilespmem:s6], [sflag:$0x2] =	stream.linear.gather @!p0 [hbm4b:s17+s0], $0x100, $0x38;
	[tilespmem:$0x1C000] =	vst v63  }
0x6e: {  	p0 =	sne.s32 s1, $0xA00  }
0x6f: {  	[tilespmem:s23], [sflag:$0x4] =	stream.indirect.gather [hbm4b:s2+s19], $0x80, s26, s19, $0xb8;
	[tilespmem:$0x1C000] =	vst v63  }
.Ltmp4:
0x70: {  	_ = 	snop;
	(pc) =	sbr.rel @!p0 .LBB2_9-.Ltmp4, $4  }
0x71: {  	_ =	swait.ge [sflag:s28], $0x4000  }
0x72: {  	[sflag:s28] =	ssyncset.done $0x0  }
0x73: {  	[sflag:s28] =	ssyncadd.s32 $0xFFFFC000  }
0x74: {  	[spmem:s3] =	stream.indirect.scatter.add.f32 [tilespmem:s14], [sflag:$0x5], $0x80, s29, s19, $0xb8;
	[tilespmem:$0x1C000] =	vst v63  }
.LBB2_4:
0x75: {  	p0 =	seq.s32 s1, $0x0  }
0x76: {  	s17 =	simm.s32 @!p0 $0x5  }
0x77: {  	_ =	swait.ge @!p0 [sflag:s17], $0x4000  }
0x78: {  	[sflag:s17] =	ssyncset.done @!p0 $0x0  }
0x79: {  	[sflag:s17] =	ssyncadd.s32 @!p0 $0xFFFFC000  }
0x7a: {  	_ =	swait.ge [sflag:s18], $0x100  }
0x7b: {  	[sflag:s18] =	ssyncset.done $0x0  }
0x7c: {  	[sflag:s18] =	ssyncadd.s32 $0xFFFFFF00  }
0x7d: {  	v3 =	vld [tilespmem:$0x13C80]  }
0x7e: {  	v4 =	vld [tilespmem:$0x13C00]  }
0x7f: {  	v5 =	vld [tilespmem:$0x13C90]  }
0x80: {  	v6 =	vld [tilespmem:$0x13C10]  }
0x81: {  	v7 =	vld [tilespmem:$0x13CA0]  }
0x82: {  	v8 =	vld [tilespmem:$0x13C20]  }
0x83: {  	v9 =	vld [tilespmem:$0x13CB0];
	vm0 =	vgt.s32 v3, $0x270F;
	vm1 =	veq.s32 v3, v4  }
0x84: {  	v10 =	vld [tilespmem:$0x13C30];
	v4 =	vadd.s32 v0, v4;
	vm0 =	vmor vm0, vm1  }
0x85: {  	v56 =	vld [tilespmem:$0x13CC0];
	vm14 =	vgt.s32 v5, $0x270F;
	vm15 =	veq.s32 v5, v6;
	[tilespmem:$0x13E00] =	vst v4;
	v3 =	vsel vm0, v2, v3  }
0x86: {  	v57 =	vld [tilespmem:$0x13C40];
	vm0 =	vmor vm14, vm15;
	[tilespmem:$0x13F00] =	vst v3;
	v3 =	vadd.s32 v0, v6  }
0x87: {  	v58 =	vld [tilespmem:$0x13CD0];
	vm4 =	vgt.s32 v7, $0x270F;
	vm5 =	veq.s32 v7, v8;
	[tilespmem:$0x13E10] =	vst v3;
	v3 =	vsel vm0, v2, v5  }
0x88: {  	v59 =	vld [tilespmem:$0x13C50];
	vm0 =	vmor vm4, vm5;
	[tilespmem:$0x13F10] =	vst v3;
	v3 =	vadd.s32 v0, v8  }
0x89: {  	v60 =	vld [tilespmem:$0x13CE0];
	vm6 =	vgt.s32 v9, $0x270F;
	vm7 =	veq.s32 v9, v10;
	[tilespmem:$0x13E20] =	vst v3;
	v3 =	vsel vm0, v2, v7  }
0x8a: {  	v61 =	vld [tilespmem:$0x13C60];
	vm0 =	vmor vm6, vm7;
	[tilespmem:$0x13F20] =	vst v3;
	v3 =	vadd.s32 v0, v10  }
0x8b: {  	v62 =	vld [tilespmem:$0x13CF0];
	vm8 =	vgt.s32 v56, $0x270F;
	vm9 =	veq.s32 v56, v57;
	[tilespmem:$0x13E30] =	vst v3;
	v3 =	vsel vm0, v2, v9  }
0x8c: {  	v63 =	vld [tilespmem:$0x13C70];
	vm0 =	vmor vm8, vm9;
	[tilespmem:$0x13F30] =	vst v3;
	v3 =	vadd.s32 v0, v57  }
0x8d: {  	vm10 =	vgt.s32 v58, $0x270F;
	vm11 =	veq.s32 v58, v59;
	[tilespmem:$0x13E40] =	vst v3;
	v3 =	vsel vm0, v2, v56  }
0x8e: {  	vm0 =	vmor vm10, vm11;
	[tilespmem:$0x13F40] =	vst v3;
	v3 =	vadd.s32 v0, v59  }
0x8f: {  	p1 =	sne.s32 s1, $0x9C0;
	vm12 =	vgt.s32 v60, $0x270F;
	vm13 =	veq.s32 v60, v61;
	[tilespmem:$0x13E50] =	vst v3;
	v3 =	vsel vm0, v2, v58  }
.Ltmp5:
0x90: {  	vm0 =	vmor vm12, vm13;
	[tilespmem:$0x13F50] =	vst v3;
	v3 =	vadd.s32 v0, v61;
	(pc) =	sbr.rel @!p1 .LBB2_5-.Ltmp5, $4  }
0x91: {  	vm14 =	vgt.s32 v62, $0x270F;
	vm15 =	veq.s32 v62, v63;
	[tilespmem:$0x13E60] =	vst v3;
	v3 =	vsel vm0, v2, v60  }
0x92: {  	vm0 =	vmor vm14, vm15;
	[tilespmem:$0x13F60] =	vst v3;
	v3 =	vadd.s32 v0, v63  }
0x93: {  	[tilespmem:$0x13E70] =	vst v3;
	v3 =	vsel vm0, v2, v62  }
0x94: {  	[tilespmem:$0x13F70] =	vst v3  }
.Ltmp6:
0x95: {  	s17 =	sadd.s32 s1, s10;
	(pc) =	sbr.rel @!p0 .LBB2_7-.Ltmp6, $4  }
.Ltmp7:
0x96: {  	s17 =	sadd.s32 $0x40, s17;
	(pc) =	sbr.rel @p0 .LBB2_8-.Ltmp7, $4  }
0x97: {  	[tilespmem:s16], [sflag:$0x1] =	stream.linear.gather [hbm4b:s17+s4], $0x100, $0x38;
	[tilespmem:$0x1C000] =	vst v63  }
0x98: {  	_ = 	snop  }
0x99: {  	[tilespmem:s14], [sflag:$0x3] =	stream.indirect.gather [hbm4b:s2+s19], $0x80, s20, s19, $0xb8;
	[tilespmem:$0x1C000] =	vst v63  }
0x9a: {  	_ = 	snop  }
.LBB2_10:
0x9b: {  	_ =	sfence.sel $0x180000  }
0x9c: {  	[bflag:$0x0] =	sbarrier.arrive $0xFFFF  }
0x9d: {  	_ =	strace $0x9000004A  }
0x9e: {  	s0 =	stileid.u32;
	[bflag:$0x2] =	sbarrier.arrive $0xFFFF  }
0x9f: {  	p0 =	sne.s32 s0, $0x0;
	s0 =	rddreg [dreg:$0x3]  }
0xa0: {  	s0 =	sadd.s32 @!p0 $0x100000, s0  }
0xa1: {  	[sflag:s0] =	ssyncadd.tile.s32 @!p0 $0x1;
	_ =	shalt  }
.Lfunc_end2:
_tile_overlayer_lowered:
.L_overlay_start_2:
0xa2: {  	(tag) =	ssettag $0x2  }
0xa3: {  	s0 =	rddreg [dreg:$0x0];
	s2 =	stileid.u32  }
0xa4: {  	s1 =	rddreg [dreg:$0x1];
	p0 =	sne.s32 s2, $0x0  }
0xa5: {  	s3 =	rddreg [dreg:$0x2];
	[bflag:$0x3] =	sbarrier.arrive $0xFFFF;
	s2 =	simm.s32 @!p0 $0x1C07  }
0xa6: {  	[timem:s3], [sflag:s2] =	dma.local @!p0 [hbm:s0], s1  }
0xa7: {  	s0 =	simm.s32 @!p0 $0x7  }
0xa8: {  	_ =	swait.ge @!p0 [sflag:s0], s1  }
0xa9: {  	s1 =	ssub.s32 @!p0 $0x0, s1;
	[sflag:s0] =	ssyncset.done @!p0 $0x0  }
0xaa: {  	[sflag:s0] =	ssyncadd.s32 @!p0 s1  }
0xab: {  	[bflag:$0x3] =	sbarrier.arrive $0xFFFF  }
0xac: {  	_ =	shalt  }

</sc_bundles>
